<compile_context>
chip_gen: v7x
topology: tpu7x:2x2x1
jax: 0.10.2.dev20260603
libtpu: 0.0.44.dev20260713+nightly
codegen_flags: <defaults>
</compile_context>

<pallas_src>
import functools

import jax
import jax.numpy as jnp
from jax import lax
from jax.experimental import pallas as pl
from jax.experimental.pallas import tpu as pltpu
from jax.experimental.pallas import tpu_sc as plsc

D = 128
GROUP = 128
NC = 2
NS = 16
NW = NC * NS


def _load_worker_idx(src_hbm, dst_v, bw, q, r, wid):
    pltpu.sync_copy(src_hbm.at[pl.ds(bw * GROUP, q * GROUP)],
                    dst_v.at[pl.ds(0, q * GROUP)])
    if r:
        @pl.when(wid < r)
        def _():
            pltpu.sync_copy(src_hbm.at[pl.ds((bw + q) * GROUP, GROUP)],
                            dst_v.at[pl.ds(q * GROUP, GROUP)])


def _sc_hist(edge_hbm, zeros_hbm, out0_hbm, out1_hbm, cidx_v, cbuf_v, ones_v,
             acc, sem, *, q, r, per_sub):
    c = lax.axis_index("c")
    s = lax.axis_index("s")
    wid = c * NS + s
    bw = wid * q + jnp.minimum(wid, r)
    tw = q + (wid < r).astype(jnp.int32)
    for j in range(GROUP // 16):
        ones_v[pl.ds(j * 16, 16)] = jnp.ones((16,), jnp.float32)
    _load_worker_idx(edge_hbm.at[1], cidx_v, bw, q, r, wid)
    pltpu.sync_copy(zeros_hbm, acc.at[pl.ds(s * per_sub, per_sub)])
    plsc.subcore_barrier()

    def body(g, carry):
        for j in range(GROUP // 16):
            cbuf_v[pl.ds(j * 16, 16)] = cidx_v[pl.ds(g * GROUP + j * 16, 16)]
        pltpu.sync_copy(ones_v, acc.at[cbuf_v], add=True)
        return carry

    lax.fori_loop(0, tw, body, 0)
    plsc.subcore_barrier()

    @pl.when(c == 0)
    def _():
        pltpu.sync_copy(acc.at[pl.ds(s * per_sub, per_sub)],
                        out0_hbm.at[pl.ds(s * per_sub, per_sub)])

    @pl.when(c == 1)
    def _():
        pltpu.sync_copy(acc.at[pl.ds(s * per_sub, per_sub)],
                        out1_hbm.at[pl.ds(s * per_sub, per_sub)])


def _sc_pass(u_hbm, edge_hbm, zeros_hbm, out_hbm,
             cidx_v, ridx0, ridx1, rows0, rows1,
             gsem0, gsem1, rsem0, rsem1, ssem0, ssem1, acc,
             *, q, r, per_sub):
    c = lax.axis_index("c")
    s = lax.axis_index("s")
    wid = c * NS + s
    bw = wid * q + jnp.minimum(wid, r)
    tw = q + (wid < r).astype(jnp.int32)
    _load_worker_idx(edge_hbm.at[1], cidx_v, bw, q, r, wid)
    pltpu.sync_copy(zeros_hbm, acc.at[pl.ds(s * per_sub, per_sub)])
    plsc.subcore_barrier()

    bufs = ((rows0, gsem0, ridx0, rsem0, ssem0),
            (rows1, gsem1, ridx1, rsem1, ssem1))

    def gather_of(g, rows, gsem):
        return pltpu.make_async_copy(
            u_hbm.at[cidx_v.at[pl.ds(g * GROUP, GROUP)]], rows, gsem)

    def ridx_of(g, ridx, rsem):
        return pltpu.make_async_copy(
            edge_hbm.at[0, pl.ds((bw + g) * GROUP, GROUP)], ridx, rsem)

    def scatter_of(rows, ridx, ssem):
        return pltpu.make_async_copy(rows, acc.at[ridx], ssem)

    @pl.when(tw > 0)
    def _():
        ridx_of(0, ridx0, rsem0).start()
        gather_of(0, rows0, gsem0).start()

    def body(g, carry):
        for b in range(2):
            @pl.when(lax.rem(g, 2) == b)
            def _(b=b):
                rows, gsem, ridx, rsem, ssem = bufs[b]
                orows, ogsem, oridx, orsem, ossem = bufs[1 - b]

                gather_of(g, rows, gsem).wait()

                @pl.when(g >= 1)
                def _():
                    scatter_of(orows, oridx, ossem).wait()

                @pl.when(g + 1 < tw)
                def _():
                    ridx_of(g + 1, oridx, orsem).start()
                    gather_of(g + 1, orows, ogsem).start()

                ridx_of(g, ridx, rsem).wait()
                pltpu.async_copy(rows, acc.at[ridx], ssem, add=True)
        return carry

    lax.fori_loop(0, tw, body, 0)
    for b in range(2):
        @pl.when(jnp.logical_and(tw > 0, lax.rem(tw - 1, 2) == b))
        def _(b=b):
            rows, _gs, ridx, _rs, ssem = bufs[b]
            scatter_of(rows, ridx, ssem).wait()
    plsc.subcore_barrier()
    pltpu.sync_copy(acc.at[pl.ds(s * per_sub, per_sub)],
                    out_hbm.at[c, pl.ds(s * per_sub, per_sub)])


def _tc_prep(dis_ref, x_ref, u0_ref):
    n = x_ref.shape[0]
    n_pad = u0_ref.shape[0]
    u0_ref[pl.ds(0, n), :] = dis_ref[pl.ds(0, n), :] * x_ref[...]
    u0_ref[pl.ds(n, n_pad - n), :] = jnp.zeros((n_pad - n, D), jnp.float32)


def _tc_mid(part_ref, u0_ref, dis_ref, fo_ref, u1_ref):
    v1 = part_ref[0] + part_ref[1] + u0_ref[...]
    dis = dis_ref[...]
    fo = dis * v1
    fo_ref[...] = fo
    u1_ref[...] = (dis * fo).astype(u1_ref.dtype)


def _tc_final(ts_ref, x_ref, fo_ref, part_ref, u1_ref, dis_ref,
              w_ref, re_ref, im_ref):
    n, d = x_ref.shape
    ts = ts_ref[0, 0]
    sl = pl.ds(0, n)
    so = dis_ref[sl, :] * (part_ref[0, sl, :].astype(jnp.float32)
                           + part_ref[1, sl, :].astype(jnp.float32)
                           + u1_ref[sl, :].astype(jnp.float32))
    re = x_ref[...] - (0.5 * ts * ts) * so
    im = ts * fo_ref[sl, :]
    w = jnp.sum(re * re + im * im, axis=1, keepdims=True)
    total = jnp.sum(w)
    wn = jnp.where(total > 1e-8, w * (float(n) / total), jnp.ones_like(w))
    w_ref[...] = wn
    re_ref[...] = re
    im_ref[...] = im


def kernel(x_complex, edge_index, evolution_time, diffusion_strength):
    n, d = x_complex.shape
    e = edge_index.shape[1]
    n_pad = ((n + NS * 128 - 1) // (NS * 128)) * (NS * 128)
    per_sub = n_pad // NS

    edge_p = edge_index
    if e % GROUP:
        pad_len = GROUP - e % GROUP
        pad_idx = jnp.full((2, pad_len), n_pad - 1, dtype=jnp.int32)
        edge_p = jnp.concatenate([edge_index, pad_idx], axis=1)
    e_pad = edge_p.shape[1]
    tot_g = e_pad // GROUP
    q, r = divmod(tot_g, NW)

    zeros2d = jnp.zeros((per_sub, D), jnp.float32)
    zeros1d = jnp.zeros((per_sub,), jnp.float32)

    mesh = plsc.VectorSubcoreMesh(core_axis_name="c", subcore_axis_name="s")
    idx_words = (q + (1 if r else 0)) * GROUP

    hist0, hist1 = pl.kernel(
        functools.partial(_sc_hist, q=q, r=r, per_sub=per_sub),
        mesh=mesh,
        out_type=(jax.ShapeDtypeStruct((n_pad,), jnp.float32),
                  jax.ShapeDtypeStruct((n_pad,), jnp.float32)),
        scratch_types=[
            pltpu.VMEM((idx_words,), jnp.int32),
            pltpu.VMEM((GROUP,), jnp.int32),
            pltpu.VMEM((GROUP,), jnp.float32),
            pltpu.VMEM_SHARED((n_pad,), jnp.float32),
            pltpu.SemaphoreType.DMA,
        ],
    )(edge_p, zeros1d)

    deg = hist0 + hist1 + 1.0
    dis = jax.lax.rsqrt(deg).reshape(n_pad, 1)

    def make_pass(dtype):
        return pl.kernel(
            functools.partial(_sc_pass, q=q, r=r, per_sub=per_sub),
            mesh=mesh,
            out_type=jax.ShapeDtypeStruct((NC, n_pad, D), dtype),
            scratch_types=[
                pltpu.VMEM((idx_words,), jnp.int32),
                pltpu.VMEM((GROUP,), jnp.int32),
                pltpu.VMEM((GROUP,), jnp.int32),
                pltpu.VMEM((GROUP, D), dtype),
                pltpu.VMEM((GROUP, D), dtype),
                pltpu.SemaphoreType.DMA,
                pltpu.SemaphoreType.DMA,
                pltpu.SemaphoreType.DMA,
                pltpu.SemaphoreType.DMA,
                pltpu.SemaphoreType.DMA,
                pltpu.SemaphoreType.DMA,
                pltpu.VMEM_SHARED((n_pad, D), dtype),
            ],
        )

    sc_pass = make_pass(jnp.float32)

    u0 = pl.pallas_call(
        _tc_prep,
        out_shape=jax.ShapeDtypeStruct((n_pad, D), jnp.float32),
    )(dis, x_complex)

    part1 = sc_pass(u0, edge_p, zeros2d)

    fo, u1 = pl.pallas_call(
        _tc_mid,
        out_shape=(jax.ShapeDtypeStruct((n_pad, D), jnp.float32),
                   jax.ShapeDtypeStruct((n_pad, D), jnp.float32)),
    )(part1, u0, dis)

    part2 = sc_pass(u1, edge_p, zeros2d)

    ts = (evolution_time * diffusion_strength).astype(jnp.float32).reshape(1, 1)
    w, re, im = pl.pallas_call(
        _tc_final,
        out_shape=(jax.ShapeDtypeStruct((n, 1), jnp.float32),
                   jax.ShapeDtypeStruct((n, d), jnp.float32),
                   jax.ShapeDtypeStruct((n, d), jnp.float32)),
    )(ts, x_complex, fo, part2, u1, dis)
    return w, jax.lax.complex(re, im)

# --- scband reference (transcript-rebuilt; emitter-appended) ---
"""Pipeline reference for scband-fast-quantum-evolution-53807350284456 (READ-ONLY COPY).

The authoritative reference and input builder live on the scoring server;
editing this copy changes nothing except your own understanding.
"""

import jax, jax.numpy as jnp
import numpy as np

N = 10000
D = 128
E = 320000


def setup_inputs(seed: int = 0):
    key = jax.random.key(seed)
    k1, k2 = jax.random.split(key, 2)
    x_complex = jax.random.normal(k1, (N, D), dtype=jnp.float32)
    edge_index = jax.random.randint(k2, (2, E), 0, N, dtype=jnp.int32)
    evolution_time = jnp.asarray(0.5, dtype=jnp.float32)
    diffusion_strength = jnp.asarray(1.0, dtype=jnp.float32)
    return {
        "x_complex": x_complex,
        "edge_index": edge_index,
        "evolution_time": evolution_time,
        "diffusion_strength": diffusion_strength,
    }


def reference(x_complex, edge_index, evolution_time, diffusion_strength):
    num_nodes = x_complex.shape[0]
    eps = 1e-08
    # add_self_loops
    loops = jnp.arange(num_nodes, dtype=edge_index.dtype)
    row = jnp.concatenate([edge_index[0], loops])
    col = jnp.concatenate([edge_index[1], loops])
    # degree over col
    deg = jnp.zeros((num_nodes,), dtype=jnp.float32).at[col].add(1.0)
    deg_inv_sqrt = jnp.where(deg > 0, deg ** -0.5, 0.0)
    norm_weights = deg_inv_sqrt[row] * deg_inv_sqrt[col]
    # first-order propagation (gather + scatter-add)
    messages_1 = x_complex[col] * norm_weights[:, None]
    first_order = jnp.zeros_like(x_complex).at[row].add(messages_1)
    ts = evolution_time * diffusion_strength
    evolved_x = x_complex.astype(jnp.complex64) + 1j * ts * first_order
    # second-order term (evolution_order >= 2)
    messages_2 = first_order[col] * norm_weights[:, None]
    second_order = jnp.zeros_like(first_order).at[row].add(messages_2)
    second_coeff = (1j * ts) ** 2 / 2.0
    evolved_x = evolved_x + second_coeff * second_order
    # evolution weights
    evolution_weights = jnp.sum((evolved_x * jnp.conj(evolved_x)).real, axis=-1, keepdims=True)
    weight_sum = jnp.sum(evolution_weights)
    evolution_weights = jnp.where(
        weight_sum > eps,
        evolution_weights / weight_sum * num_nodes,
        jnp.ones_like(evolution_weights),
    )
    return (evolution_weights, evolved_x)

if __name__ == "__main__":
    import jax
    _d = setup_inputs()
    print(jax.jit(kernel)(*tuple(_d.values())))

</pallas_src>

<mosaic_0001>
#map = affine_map<(d0, d1) -> (0, 0)>
#map1 = affine_map<(d0, d1) -> (0, 0, 0)>
module attributes {stable_mosaic.version = 14 : i64} {
  func.func @_sc_pass(%arg0: i32, %arg1: i32, %arg2: memref<10240x128xf32, #tpu.memory_space<hbm>>, %arg3: memref<2x320000xi32, #tpu.memory_space<hbm>>, %arg4: memref<640x128xf32, #tpu.memory_space<hbm>>, %arg5: memref<2x10240x128xf32, #tpu.memory_space<hbm>>, %arg6: memref<10112xi32, #tpu.memory_space<vmem>>, %arg7: memref<128xi32, #tpu.memory_space<vmem>>, %arg8: memref<128xi32, #tpu.memory_space<vmem>>, %arg9: memref<128x128xf32, #tpu.memory_space<vmem>>, %arg10: memref<128x128xf32, #tpu.memory_space<vmem>>, %arg11: memref<!tpu.dma_semaphore, #tpu.memory_space<semaphore_mem>>, %arg12: memref<!tpu.dma_semaphore, #tpu.memory_space<semaphore_mem>>, %arg13: memref<!tpu.dma_semaphore, #tpu.memory_space<semaphore_mem>>, %arg14: memref<!tpu.dma_semaphore, #tpu.memory_space<semaphore_mem>>, %arg15: memref<!tpu.dma_semaphore, #tpu.memory_space<semaphore_mem>>, %arg16: memref<!tpu.dma_semaphore, #tpu.memory_space<semaphore_mem>>, %arg17: memref<10240x128xf32, #tpu.memory_space<vmem_shared>>) attributes {dimension_semantics = [#tpu.dimension_semantics<core_parallel>, #tpu.dimension_semantics<subcore_parallel>], iteration_bounds = array<i64: 2, 16>, scalar_prefetch = 0 : i64, scratch_operands = 12 : i64, tpu.core_type = #tpu.core_type<sc_vector_subcore>, window_params = [{transform_indices = #map}, {transform_indices = #map}, {transform_indices = #map}, {transform_indices = #map1}]} {
    %mul3A = arith.constant 16 : i32
    %mul3A_0 = arith.muli %arg0, %mul3A : i32
    %add3A = arith.addi %mul3A_0, %arg1 : i32
    %mul3A_1 = arith.constant 78 : i32
    %mul3A_2 = arith.muli %add3A, %mul3A_1 : i32
    %min3A = arith.constant 4 : i32
    %min3A_3 = arith.minsi %add3A, %min3A : i32
    %add3A_4 = arith.addi %mul3A_2, %min3A_3 : i32
    %lt3A = arith.constant 4 : i32
    %lt3A_5 = arith.cmpi slt, %add3A, %lt3A : i32
    %convert_element_type3A = arith.extui %lt3A_5 : i1 to i32
    %add3A_6 = arith.constant 78 : i32
    %add3A_7 = arith.addi %add3A_6, %convert_element_type3A : i32
    %mul3A_8 = arith.constant 128 : i32
    %mul3A_9 = arith.muli %add3A_4, %mul3A_8 : i32
    %run_scoped3A = arith.constant 1 : i32
    "tpu.region"() ({
      %run_scoped3A_55 = tpu.sem_alloc : memref<!tpu.dma_semaphore, #tpu.memory_space<semaphore_mem>>
      %dma_start3A = arith.constant 0 : i32
      %dma_start3A_56 = tpu.memref_slice %arg6[%dma_start3A] : memref<10112xi32, #tpu.memory_space<vmem>> -> memref<9984xi32, #tpu.memory_space<vmem>>
      %dma_start3A_57 = arith.constant 0 : i32
      %dma_start3A_58 = tpu.memref_slice %arg3[%run_scoped3A, %dma_start3A_57] : memref<2x320000xi32, #tpu.memory_space<hbm>> -> memref<1x320000xi32, #tpu.memory_space<hbm>>
      %dma_start3A_59 = tpu.memref_squeeze %dma_start3A_58 : memref<1x320000xi32, #tpu.memory_space<hbm>> -> memref<320000xi32, #tpu.memory_space<hbm>>
      %dma_start3A_60 = tpu.memref_slice %dma_start3A_59[%mul3A_9] : memref<320000xi32, #tpu.memory_space<hbm>> -> memref<9984xi32, #tpu.memory_space<hbm>>
      %dma_start3A_61 = arith.constant 0 : i32
      %dma_start3A_62 = tpu.memref_slice %arg6[%dma_start3A_61] : memref<10112xi32, #tpu.memory_space<vmem>> -> memref<9984xi32, #tpu.memory_space<vmem>>
      %dma_start3A_63 = arith.constant 0 : i32
      %dma_start3A_64 = tpu.memref_slice %arg3[%run_scoped3A, %dma_start3A_63] : memref<2x320000xi32, #tpu.memory_space<hbm>> -> memref<1x320000xi32, #tpu.memory_space<hbm>>
      %dma_start3A_65 = tpu.memref_squeeze %dma_start3A_64 : memref<1x320000xi32, #tpu.memory_space<hbm>> -> memref<320000xi32, #tpu.memory_space<hbm>>
      %dma_start3A_66 = tpu.memref_slice %dma_start3A_65[%mul3A_9] : memref<320000xi32, #tpu.memory_space<hbm>> -> memref<9984xi32, #tpu.memory_space<hbm>>
      tpu.enqueue_dma source(%dma_start3A_66 : memref<9984xi32, #tpu.memory_space<hbm>>) target(%dma_start3A_62 : memref<9984xi32, #tpu.memory_space<vmem>>) target_semaphore(%run_scoped3A_55 : memref<!tpu.dma_semaphore, #tpu.memory_space<semaphore_mem>>)
      %dma_wait3A = arith.constant 0 : i32
      %dma_wait3A_67 = tpu.memref_slice %arg6[%dma_wait3A] : memref<10112xi32, #tpu.memory_space<vmem>> -> memref<9984xi32, #tpu.memory_space<vmem>>
      %dma_wait3A_68 = arith.constant 0 : i32
      %dma_wait3A_69 = tpu.memref_slice %arg3[%run_scoped3A, %dma_wait3A_68] : memref<2x320000xi32, #tpu.memory_space<hbm>> -> memref<1x320000xi32, #tpu.memory_space<hbm>>
      %dma_wait3A_70 = tpu.memref_squeeze %dma_wait3A_69 : memref<1x320000xi32, #tpu.memory_space<hbm>> -> memref<320000xi32, #tpu.memory_space<hbm>>
      %dma_wait3A_71 = tpu.memref_slice %dma_wait3A_70[%mul3A_9] : memref<320000xi32, #tpu.memory_space<hbm>> -> memref<9984xi32, #tpu.memory_space<hbm>>
      %dma_wait3A_72 = arith.constant 0 : i32
      %dma_wait3A_73 = tpu.memref_slice %arg6[%dma_wait3A_72] : memref<10112xi32, #tpu.memory_space<vmem>> -> memref<9984xi32, #tpu.memory_space<vmem>>
      %dma_wait3A_74 = arith.constant 0 : i32
      %dma_wait3A_75 = tpu.memref_slice %arg3[%run_scoped3A, %dma_wait3A_74] : memref<2x320000xi32, #tpu.memory_space<hbm>> -> memref<1x320000xi32, #tpu.memory_space<hbm>>
      %dma_wait3A_76 = tpu.memref_squeeze %dma_wait3A_75 : memref<1x320000xi32, #tpu.memory_space<hbm>> -> memref<320000xi32, #tpu.memory_space<hbm>>
      %dma_wait3A_77 = tpu.memref_slice %dma_wait3A_76[%mul3A_9] : memref<320000xi32, #tpu.memory_space<hbm>> -> memref<9984xi32, #tpu.memory_space<hbm>>
      tpu.wait_dma2 semaphore(%run_scoped3A_55 : memref<!tpu.dma_semaphore, #tpu.memory_space<semaphore_mem>>) src(%dma_wait3A_77 : memref<9984xi32, #tpu.memory_space<hbm>>) dst(%dma_wait3A_73 : memref<9984xi32, #tpu.memory_space<vmem>>)
      tpu.yield
    }) : () -> ()
    %lt3A_10 = arith.constant 4 : i32
    %lt3A_11 = arith.cmpi slt, %add3A, %lt3A_10 : i32
    %convert_element_type3A_12 = arith.extui %lt3A_11 : i1 to i32
    %cond3A = arith.constant 1 : i32
    %cond3A_13 = arith.constant 0 : i32
    %cond3A_14 = arith.cmpi ne, %convert_element_type3A_12, %cond3A_13 : i32
    scf.if %cond3A_14 {
      %add3A_55 = arith.constant 78 : i32
      %add3A_56 = arith.addi %add3A_4, %add3A_55 : i32
      %mul3A_57 = arith.constant 128 : i32
      %mul3A_58 = arith.muli %add3A_56, %mul3A_57 : i32
      "tpu.region"() ({
        %run_scoped3A_59 = tpu.sem_alloc : memref<!tpu.dma_semaphore, #tpu.memory_space<semaphore_mem>>
        %dma_start3A = arith.constant 9984 : i32
        %dma_start3A_60 = tpu.memref_slice %arg6[%dma_start3A] : memref<10112xi32, #tpu.memory_space<vmem>> -> memref<128xi32, #tpu.memory_space<vmem>>
        %dma_start3A_61 = arith.constant 0 : i32
        %dma_start3A_62 = tpu.memref_slice %arg3[%cond3A, %dma_start3A_61] : memref<2x320000xi32, #tpu.memory_space<hbm>> -> memref<1x320000xi32, #tpu.memory_space<hbm>>
        %dma_start3A_63 = tpu.memref_squeeze %dma_start3A_62 : memref<1x320000xi32, #tpu.memory_space<hbm>> -> memref<320000xi32, #tpu.memory_space<hbm>>
        %dma_start3A_64 = tpu.memref_slice %dma_start3A_63[%mul3A_58] : memref<320000xi32, #tpu.memory_space<hbm>> -> memref<128xi32, #tpu.memory_space<hbm>>
        %dma_start3A_65 = arith.constant 9984 : i32
        %dma_start3A_66 = tpu.memref_slice %arg6[%dma_start3A_65] : memref<10112xi32, #tpu.memory_space<vmem>> -> memref<128xi32, #tpu.memory_space<vmem>>
        %dma_start3A_67 = arith.constant 0 : i32
        %dma_start3A_68 = tpu.memref_slice %arg3[%cond3A, %dma_start3A_67] : memref<2x320000xi32, #tpu.memory_space<hbm>> -> memref<1x320000xi32, #tpu.memory_space<hbm>>
        %dma_start3A_69 = tpu.memref_squeeze %dma_start3A_68 : memref<1x320000xi32, #tpu.memory_space<hbm>> -> memref<320000xi32, #tpu.memory_space<hbm>>
        %dma_start3A_70 = tpu.memref_slice %dma_start3A_69[%mul3A_58] : memref<320000xi32, #tpu.memory_space<hbm>> -> memref<128xi32, #tpu.memory_space<hbm>>
        tpu.enqueue_dma source(%dma_start3A_70 : memref<128xi32, #tpu.memory_space<hbm>>) target(%dma_start3A_66 : memref<128xi32, #tpu.memory_space<vmem>>) target_semaphore(%run_scoped3A_59 : memref<!tpu.dma_semaphore, #tpu.memory_space<semaphore_mem>>)
        %dma_wait3A = arith.constant 9984 : i32
        %dma_wait3A_71 = tpu.memref_slice %arg6[%dma_wait3A] : memref<10112xi32, #tpu.memory_space<vmem>> -> memref<128xi32, #tpu.memory_space<vmem>>
        %dma_wait3A_72 = arith.constant 0 : i32
        %dma_wait3A_73 = tpu.memref_slice %arg3[%cond3A, %dma_wait3A_72] : memref<2x320000xi32, #tpu.memory_space<hbm>> -> memref<1x320000xi32, #tpu.memory_space<hbm>>
        %dma_wait3A_74 = tpu.memref_squeeze %dma_wait3A_73 : memref<1x320000xi32, #tpu.memory_space<hbm>> -> memref<320000xi32, #tpu.memory_space<hbm>>
        %dma_wait3A_75 = tpu.memref_slice %dma_wait3A_74[%mul3A_58] : memref<320000xi32, #tpu.memory_space<hbm>> -> memref<128xi32, #tpu.memory_space<hbm>>
        %dma_wait3A_76 = arith.constant 9984 : i32
        %dma_wait3A_77 = tpu.memref_slice %arg6[%dma_wait3A_76] : memref<10112xi32, #tpu.memory_space<vmem>> -> memref<128xi32, #tpu.memory_space<vmem>>
        %dma_wait3A_78 = arith.constant 0 : i32
        %dma_wait3A_79 = tpu.memref_slice %arg3[%cond3A, %dma_wait3A_78] : memref<2x320000xi32, #tpu.memory_space<hbm>> -> memref<1x320000xi32, #tpu.memory_space<hbm>>
        %dma_wait3A_80 = tpu.memref_squeeze %dma_wait3A_79 : memref<1x320000xi32, #tpu.memory_space<hbm>> -> memref<320000xi32, #tpu.memory_space<hbm>>
        %dma_wait3A_81 = tpu.memref_slice %dma_wait3A_80[%mul3A_58] : memref<320000xi32, #tpu.memory_space<hbm>> -> memref<128xi32, #tpu.memory_space<hbm>>
        tpu.wait_dma2 semaphore(%run_scoped3A_59 : memref<!tpu.dma_semaphore, #tpu.memory_space<semaphore_mem>>) src(%dma_wait3A_81 : memref<128xi32, #tpu.memory_space<hbm>>) dst(%dma_wait3A_77 : memref<128xi32, #tpu.memory_space<vmem>>)
        tpu.yield
      }) : () -> ()
    } else {
    }
    %mul3A_15 = arith.constant 640 : i32
    %mul3A_16 = arith.muli %arg1, %mul3A_15 : i32
    "tpu.region"() ({
      %run_scoped3A_55 = tpu.sem_alloc : memref<!tpu.dma_semaphore, #tpu.memory_space<semaphore_mem>>
      %dma_start3A = arith.constant 0 : i32
      %dma_start3A_56 = tpu.memref_slice %arg17[%mul3A_16, %dma_start3A] : memref<10240x128xf32, #tpu.memory_space<vmem_shared>> -> memref<640x128xf32, #tpu.memory_space<vmem_shared>>
      tpu.enqueue_dma source(%arg4 : memref<640x128xf32, #tpu.memory_space<hbm>>) target(%dma_start3A_56 : memref<640x128xf32, #tpu.memory_space<vmem_shared>>) target_semaphore(%run_scoped3A_55 : memref<!tpu.dma_semaphore, #tpu.memory_space<semaphore_mem>>)
      %dma_wait3A = arith.constant 0 : i32
      %dma_wait3A_57 = tpu.memref_slice %arg17[%mul3A_16, %dma_wait3A] : memref<10240x128xf32, #tpu.memory_space<vmem_shared>> -> memref<640x128xf32, #tpu.memory_space<vmem_shared>>
      tpu.wait_dma2 semaphore(%run_scoped3A_55 : memref<!tpu.dma_semaphore, #tpu.memory_space<semaphore_mem>>) src(%arg4 : memref<640x128xf32, #tpu.memory_space<hbm>>) dst(%dma_wait3A_57 : memref<640x128xf32, #tpu.memory_space<vmem_shared>>)
      tpu.yield
    }) : () -> ()
    %barrier3A = arith.constant 0 : index
    tpu.barrier barrier_id(%barrier3A)
    %gt3A = arith.constant 0 : i32
    %gt3A_17 = arith.cmpi sgt, %add3A_7, %gt3A : i32
    %convert_element_type3A_18 = arith.extui %gt3A_17 : i1 to i32
    %cond3A_19 = arith.constant 0 : i32
    %cond3A_20 = arith.cmpi ne, %convert_element_type3A_18, %cond3A_19 : i32
    scf.if %cond3A_20 {
      %add3A_55 = arith.constant 0 : i32
      %add3A_56 = arith.addi %add3A_4, %add3A_55 : i32
      %mul3A_57 = arith.constant 128 : i32
      %mul3A_58 = arith.muli %add3A_56, %mul3A_57 : i32
      %dma_start3A = arith.constant 0 : i32
      %dma_start3A_59 = tpu.memref_slice %arg3[%dma_start3A, %mul3A_58] : memref<2x320000xi32, #tpu.memory_space<hbm>> -> memref<1x128xi32, #tpu.memory_space<hbm>>
      %dma_start3A_60 = tpu.memref_squeeze %dma_start3A_59 : memref<1x128xi32, #tpu.memory_space<hbm>> -> memref<128xi32, #tpu.memory_space<hbm>>
      %dma_start3A_61 = tpu.memref_slice %arg3[%dma_start3A, %mul3A_58] : memref<2x320000xi32, #tpu.memory_space<hbm>> -> memref<1x128xi32, #tpu.memory_space<hbm>>
      %dma_start3A_62 = tpu.memref_squeeze %dma_start3A_61 : memref<1x128xi32, #tpu.memory_space<hbm>> -> memref<128xi32, #tpu.memory_space<hbm>>
      tpu.enqueue_dma source(%dma_start3A_62 : memref<128xi32, #tpu.memory_space<hbm>>) target(%arg7 : memref<128xi32, #tpu.memory_space<vmem>>) target_semaphore(%arg13 : memref<!tpu.dma_semaphore, #tpu.memory_space<semaphore_mem>>)
      %dma_start3A_63 = arith.constant 0 : i32
      %dma_start3A_64 = tpu.memref_slice %arg6[%dma_start3A_63] : memref<10112xi32, #tpu.memory_space<vmem>> -> memref<128xi32, #tpu.memory_space<vmem>>
      %dma_start3A_65 = arith.constant 0 : i32
      %dma_start3A_66 = arith.constant 0 : i32
      %dma_start3A_67 = tpu.memref_slice %arg2[%dma_start3A_65, %dma_start3A_66] : memref<10240x128xf32, #tpu.memory_space<hbm>> -> memref<10240x128xf32, #tpu.memory_space<hbm>>
      tpu.enqueue_indirect_dma source(%dma_start3A_67 : memref<10240x128xf32, #tpu.memory_space<hbm>>) target(%arg9 : memref<128x128xf32, #tpu.memory_space<vmem>>) offsets(%dma_start3A_64 : memref<128xi32, #tpu.memory_space<vmem>>) semaphore(%arg11 : memref<!tpu.dma_semaphore, #tpu.memory_space<semaphore_mem>>)
    } else {
    }
    %while3A = arith.constant 0 : i32
    %while3A_21 = arith.constant 0 : i32
    %while3A_22 = arith.subi %add3A_7, %while3A_21 : i32
    %while3A_23 = arith.addi %while3A_21, %while3A_22 : i32
    %while3A_24 = arith.constant 1 : i32
    %while3A_25 = arith.divsi %while3A_22, %while3A_24 : i32
    %while3A_26 = arith.muli %while3A_25, %while3A_24 : i32
    %while3A_27 = arith.addi %while3A_21, %while3A_26 : i32
    %while3A_28 = arith.constant 1 : i32
    scf.for %while3A_55 = %while3A_21 to %while3A_27 step %while3A_28  : i32 {
      %rem3A_56 = arith.constant 2 : i32
      %rem3A_57 = arith.remsi %while3A_55, %rem3A_56 : i32
      %eq3A_58 = arith.constant 0 : i32
      %eq3A_59 = arith.cmpi eq, %rem3A_57, %eq3A_58 : i32
      %convert_element_type3A_60 = arith.extui %eq3A_59 : i1 to i32
      %cond3A_61 = arith.constant 0 : i32
      %cond3A_62 = arith.cmpi ne, %convert_element_type3A_60, %cond3A_61 : i32
      scf.if %cond3A_62 {
        %mul3A_70 = arith.constant 128 : i32
        %mul3A_71 = arith.muli %while3A_55, %mul3A_70 : i32
        %dma_wait3A = tpu.memref_slice %arg6[%mul3A_71] : memref<10112xi32, #tpu.memory_space<vmem>> -> memref<128xi32, #tpu.memory_space<vmem>>
        %dma_wait3A_72 = arith.constant 0 : i32
        %dma_wait3A_73 = arith.constant 0 : i32
        %dma_wait3A_74 = tpu.memref_slice %arg2[%dma_wait3A_72, %dma_wait3A_73] : memref<10240x128xf32, #tpu.memory_space<hbm>> -> memref<10240x128xf32, #tpu.memory_space<hbm>>
        tpu.wait_indirect_dma semaphore(%arg11 : memref<!tpu.dma_semaphore, #tpu.memory_space<semaphore_mem>>) src(%dma_wait3A_74 : memref<10240x128xf32, #tpu.memory_space<hbm>>) dst(%arg9 : memref<128x128xf32, #tpu.memory_space<vmem>>)
        %ge3A = arith.constant 1 : i32
        %ge3A_75 = arith.cmpi sge, %while3A_55, %ge3A : i32
        %convert_element_type3A_76 = arith.extui %ge3A_75 : i1 to i32
        %cond3A_77 = arith.constant 0 : i32
        %cond3A_78 = arith.cmpi ne, %convert_element_type3A_76, %cond3A_77 : i32
        scf.if %cond3A_78 {
          %dma_wait3A_95 = arith.constant 0 : i32
          %dma_wait3A_96 = arith.constant 0 : i32
          %dma_wait3A_97 = tpu.memref_slice %arg17[%dma_wait3A_95, %dma_wait3A_96] : memref<10240x128xf32, #tpu.memory_space<vmem_shared>> -> memref<10240x128xf32, #tpu.memory_space<vmem_shared>>
          tpu.wait_indirect_dma semaphore(%arg16 : memref<!tpu.dma_semaphore, #tpu.memory_space<semaphore_mem>>) src(%arg10 : memref<128x128xf32, #tpu.memory_space<vmem>>) dst(%dma_wait3A_97 : memref<10240x128xf32, #tpu.memory_space<vmem_shared>>)
        } else {
        }
        %add3A_79 = arith.constant 1 : i32
        %add3A_80 = arith.addi %while3A_55, %add3A_79 : i32
        %lt3A_81 = arith.cmpi slt, %add3A_80, %add3A_7 : i32
        %convert_element_type3A_82 = arith.extui %lt3A_81 : i1 to i32
        %cond3A_83 = arith.constant 0 : i32
        %cond3A_84 = arith.cmpi ne, %convert_element_type3A_82, %cond3A_83 : i32
        scf.if %cond3A_84 {
          %add3A_95 = arith.constant 1 : i32
          %add3A_96 = arith.addi %while3A_55, %add3A_95 : i32
          %add3A_97 = arith.addi %add3A_4, %add3A_96 : i32
          %mul3A_98 = arith.constant 128 : i32
          %mul3A_99 = arith.muli %add3A_97, %mul3A_98 : i32
          %dma_start3A_100 = arith.constant 0 : i32
          %dma_start3A_101 = tpu.memref_slice %arg3[%dma_start3A_100, %mul3A_99] : memref<2x320000xi32, #tpu.memory_space<hbm>> -> memref<1x128xi32, #tpu.memory_space<hbm>>
          %dma_start3A_102 = tpu.memref_squeeze %dma_start3A_101 : memref<1x128xi32, #tpu.memory_space<hbm>> -> memref<128xi32, #tpu.memory_space<hbm>>
          %dma_start3A_103 = tpu.memref_slice %arg3[%dma_start3A_100, %mul3A_99] : memref<2x320000xi32, #tpu.memory_space<hbm>> -> memref<1x128xi32, #tpu.memory_space<hbm>>
          %dma_start3A_104 = tpu.memref_squeeze %dma_start3A_103 : memref<1x128xi32, #tpu.memory_space<hbm>> -> memref<128xi32, #tpu.memory_space<hbm>>
          tpu.enqueue_dma source(%dma_start3A_104 : memref<128xi32, #tpu.memory_space<hbm>>) target(%arg8 : memref<128xi32, #tpu.memory_space<vmem>>) target_semaphore(%arg14 : memref<!tpu.dma_semaphore, #tpu.memory_space<semaphore_mem>>)
          %add3A_105 = arith.constant 1 : i32
          %add3A_106 = arith.addi %while3A_55, %add3A_105 : i32
          %mul3A_107 = arith.constant 128 : i32
          %mul3A_108 = arith.muli %add3A_106, %mul3A_107 : i32
          %dma_start3A_109 = tpu.memref_slice %arg6[%mul3A_108] : memref<10112xi32, #tpu.memory_space<vmem>> -> memref<128xi32, #tpu.memory_space<vmem>>
          %dma_start3A_110 = arith.constant 0 : i32
          %dma_start3A_111 = arith.constant 0 : i32
          %dma_start3A_112 = tpu.memref_slice %arg2[%dma_start3A_110, %dma_start3A_111] : memref<10240x128xf32, #tpu.memory_space<hbm>> -> memref<10240x128xf32, #tpu.memory_space<hbm>>
          tpu.enqueue_indirect_dma source(%dma_start3A_112 : memref<10240x128xf32, #tpu.memory_space<hbm>>) target(%arg10 : memref<128x128xf32, #tpu.memory_space<vmem>>) offsets(%dma_start3A_109 : memref<128xi32, #tpu.memory_space<vmem>>) semaphore(%arg12 : memref<!tpu.dma_semaphore, #tpu.memory_space<semaphore_mem>>)
        } else {
        }
        %add3A_85 = arith.addi %add3A_4, %while3A_55 : i32
        %mul3A_86 = arith.constant 128 : i32
        %mul3A_87 = arith.muli %add3A_85, %mul3A_86 : i32
        %dma_wait3A_88 = arith.constant 0 : i32
        %dma_wait3A_89 = tpu.memref_slice %arg3[%dma_wait3A_88, %mul3A_87] : memref<2x320000xi32, #tpu.memory_space<hbm>> -> memref<1x128xi32, #tpu.memory_space<hbm>>
        %dma_wait3A_90 = tpu.memref_squeeze %dma_wait3A_89 : memref<1x128xi32, #tpu.memory_space<hbm>> -> memref<128xi32, #tpu.memory_space<hbm>>
        %dma_wait3A_91 = tpu.memref_slice %arg3[%dma_wait3A_88, %mul3A_87] : memref<2x320000xi32, #tpu.memory_space<hbm>> -> memref<1x128xi32, #tpu.memory_space<hbm>>
        %dma_wait3A_92 = tpu.memref_squeeze %dma_wait3A_91 : memref<1x128xi32, #tpu.memory_space<hbm>> -> memref<128xi32, #tpu.memory_space<hbm>>
        tpu.wait_dma2 semaphore(%arg13 : memref<!tpu.dma_semaphore, #tpu.memory_space<semaphore_mem>>) src(%dma_wait3A_92 : memref<128xi32, #tpu.memory_space<hbm>>) dst(%arg7 : memref<128xi32, #tpu.memory_space<vmem>>)
        %dma_start3A = arith.constant 0 : i32
        %dma_start3A_93 = arith.constant 0 : i32
        %dma_start3A_94 = tpu.memref_slice %arg17[%dma_start3A, %dma_start3A_93] : memref<10240x128xf32, #tpu.memory_space<vmem_shared>> -> memref<10240x128xf32, #tpu.memory_space<vmem_shared>>
        tpu.enqueue_indirect_dma source(%arg9 : memref<128x128xf32, #tpu.memory_space<vmem>>) target(%dma_start3A_94 : memref<10240x128xf32, #tpu.memory_space<vmem_shared>>) offsets(%arg7 : memref<128xi32, #tpu.memory_space<vmem>>) semaphore(%arg15 : memref<!tpu.dma_semaphore, #tpu.memory_space<semaphore_mem>>) {add = true}
      } else {
      }
      %rem3A_63 = arith.constant 2 : i32
      %rem3A_64 = arith.remsi %while3A_55, %rem3A_63 : i32
      %eq3A_65 = arith.constant 1 : i32
      %eq3A_66 = arith.cmpi eq, %rem3A_64, %eq3A_65 : i32
      %convert_element_type3A_67 = arith.extui %eq3A_66 : i1 to i32
      %cond3A_68 = arith.constant 0 : i32
      %cond3A_69 = arith.cmpi ne, %convert_element_type3A_67, %cond3A_68 : i32
      scf.if %cond3A_69 {
        %mul3A_70 = arith.constant 128 : i32
        %mul3A_71 = arith.muli %while3A_55, %mul3A_70 : i32
        %dma_wait3A = tpu.memref_slice %arg6[%mul3A_71] : memref<10112xi32, #tpu.memory_space<vmem>> -> memref<128xi32, #tpu.memory_space<vmem>>
        %dma_wait3A_72 = arith.constant 0 : i32
        %dma_wait3A_73 = arith.constant 0 : i32
        %dma_wait3A_74 = tpu.memref_slice %arg2[%dma_wait3A_72, %dma_wait3A_73] : memref<10240x128xf32, #tpu.memory_space<hbm>> -> memref<10240x128xf32, #tpu.memory_space<hbm>>
        tpu.wait_indirect_dma semaphore(%arg12 : memref<!tpu.dma_semaphore, #tpu.memory_space<semaphore_mem>>) src(%dma_wait3A_74 : memref<10240x128xf32, #tpu.memory_space<hbm>>) dst(%arg10 : memref<128x128xf32, #tpu.memory_space<vmem>>)
        %ge3A = arith.constant 1 : i32
        %ge3A_75 = arith.cmpi sge, %while3A_55, %ge3A : i32
        %convert_element_type3A_76 = arith.extui %ge3A_75 : i1 to i32
        %cond3A_77 = arith.constant 0 : i32
        %cond3A_78 = arith.cmpi ne, %convert_element_type3A_76, %cond3A_77 : i32
        scf.if %cond3A_78 {
          %dma_wait3A_95 = arith.constant 0 : i32
          %dma_wait3A_96 = arith.constant 0 : i32
          %dma_wait3A_97 = tpu.memref_slice %arg17[%dma_wait3A_95, %dma_wait3A_96] : memref<10240x128xf32, #tpu.memory_space<vmem_shared>> -> memref<10240x128xf32, #tpu.memory_space<vmem_shared>>
          tpu.wait_indirect_dma semaphore(%arg15 : memref<!tpu.dma_semaphore, #tpu.memory_space<semaphore_mem>>) src(%arg9 : memref<128x128xf32, #tpu.memory_space<vmem>>) dst(%dma_wait3A_97 : memref<10240x128xf32, #tpu.memory_space<vmem_shared>>)
        } else {
        }
        %add3A_79 = arith.constant 1 : i32
        %add3A_80 = arith.addi %while3A_55, %add3A_79 : i32
        %lt3A_81 = arith.cmpi slt, %add3A_80, %add3A_7 : i32
        %convert_element_type3A_82 = arith.extui %lt3A_81 : i1 to i32
        %cond3A_83 = arith.constant 0 : i32
        %cond3A_84 = arith.cmpi ne, %convert_element_type3A_82, %cond3A_83 : i32
        scf.if %cond3A_84 {
          %add3A_95 = arith.constant 1 : i32
          %add3A_96 = arith.addi %while3A_55, %add3A_95 : i32
          %add3A_97 = arith.addi %add3A_4, %add3A_96 : i32
          %mul3A_98 = arith.constant 128 : i32
          %mul3A_99 = arith.muli %add3A_97, %mul3A_98 : i32
          %dma_start3A_100 = arith.constant 0 : i32
          %dma_start3A_101 = tpu.memref_slice %arg3[%dma_start3A_100, %mul3A_99] : memref<2x320000xi32, #tpu.memory_space<hbm>> -> memref<1x128xi32, #tpu.memory_space<hbm>>
          %dma_start3A_102 = tpu.memref_squeeze %dma_start3A_101 : memref<1x128xi32, #tpu.memory_space<hbm>> -> memref<128xi32, #tpu.memory_space<hbm>>
          %dma_start3A_103 = tpu.memref_slice %arg3[%dma_start3A_100, %mul3A_99] : memref<2x320000xi32, #tpu.memory_space<hbm>> -> memref<1x128xi32, #tpu.memory_space<hbm>>
          %dma_start3A_104 = tpu.memref_squeeze %dma_start3A_103 : memref<1x128xi32, #tpu.memory_space<hbm>> -> memref<128xi32, #tpu.memory_space<hbm>>
          tpu.enqueue_dma source(%dma_start3A_104 : memref<128xi32, #tpu.memory_space<hbm>>) target(%arg7 : memref<128xi32, #tpu.memory_space<vmem>>) target_semaphore(%arg13 : memref<!tpu.dma_semaphore, #tpu.memory_space<semaphore_mem>>)
          %add3A_105 = arith.constant 1 : i32
          %add3A_106 = arith.addi %while3A_55, %add3A_105 : i32
          %mul3A_107 = arith.constant 128 : i32
          %mul3A_108 = arith.muli %add3A_106, %mul3A_107 : i32
          %dma_start3A_109 = tpu.memref_slice %arg6[%mul3A_108] : memref<10112xi32, #tpu.memory_space<vmem>> -> memref<128xi32, #tpu.memory_space<vmem>>
          %dma_start3A_110 = arith.constant 0 : i32
          %dma_start3A_111 = arith.constant 0 : i32
          %dma_start3A_112 = tpu.memref_slice %arg2[%dma_start3A_110, %dma_start3A_111] : memref<10240x128xf32, #tpu.memory_space<hbm>> -> memref<10240x128xf32, #tpu.memory_space<hbm>>
          tpu.enqueue_indirect_dma source(%dma_start3A_112 : memref<10240x128xf32, #tpu.memory_space<hbm>>) target(%arg9 : memref<128x128xf32, #tpu.memory_space<vmem>>) offsets(%dma_start3A_109 : memref<128xi32, #tpu.memory_space<vmem>>) semaphore(%arg11 : memref<!tpu.dma_semaphore, #tpu.memory_space<semaphore_mem>>)
        } else {
        }
        %add3A_85 = arith.addi %add3A_4, %while3A_55 : i32
        %mul3A_86 = arith.constant 128 : i32
        %mul3A_87 = arith.muli %add3A_85, %mul3A_86 : i32
        %dma_wait3A_88 = arith.constant 0 : i32
        %dma_wait3A_89 = tpu.memref_slice %arg3[%dma_wait3A_88, %mul3A_87] : memref<2x320000xi32, #tpu.memory_space<hbm>> -> memref<1x128xi32, #tpu.memory_space<hbm>>
        %dma_wait3A_90 = tpu.memref_squeeze %dma_wait3A_89 : memref<1x128xi32, #tpu.memory_space<hbm>> -> memref<128xi32, #tpu.memory_space<hbm>>
        %dma_wait3A_91 = tpu.memref_slice %arg3[%dma_wait3A_88, %mul3A_87] : memref<2x320000xi32, #tpu.memory_space<hbm>> -> memref<1x128xi32, #tpu.memory_space<hbm>>
        %dma_wait3A_92 = tpu.memref_squeeze %dma_wait3A_91 : memref<1x128xi32, #tpu.memory_space<hbm>> -> memref<128xi32, #tpu.memory_space<hbm>>
        tpu.wait_dma2 semaphore(%arg14 : memref<!tpu.dma_semaphore, #tpu.memory_space<semaphore_mem>>) src(%dma_wait3A_92 : memref<128xi32, #tpu.memory_space<hbm>>) dst(%arg8 : memref<128xi32, #tpu.memory_space<vmem>>)
        %dma_start3A = arith.constant 0 : i32
        %dma_start3A_93 = arith.constant 0 : i32
        %dma_start3A_94 = tpu.memref_slice %arg17[%dma_start3A, %dma_start3A_93] : memref<10240x128xf32, #tpu.memory_space<vmem_shared>> -> memref<10240x128xf32, #tpu.memory_space<vmem_shared>>
        tpu.enqueue_indirect_dma source(%arg10 : memref<128x128xf32, #tpu.memory_space<vmem>>) target(%dma_start3A_94 : memref<10240x128xf32, #tpu.memory_space<vmem_shared>>) offsets(%arg8 : memref<128xi32, #tpu.memory_space<vmem>>) semaphore(%arg16 : memref<!tpu.dma_semaphore, #tpu.memory_space<semaphore_mem>>) {add = true}
      } else {
      }
    }
    %while3A_29 = arith.constant 1 : i32
    scf.for %while3A_55 = %while3A_27 to %while3A_23 step %while3A_29  : i32 {
      %rem3A_56 = arith.constant 2 : i32
      %rem3A_57 = arith.remsi %while3A_55, %rem3A_56 : i32
      %eq3A_58 = arith.constant 0 : i32
      %eq3A_59 = arith.cmpi eq, %rem3A_57, %eq3A_58 : i32
      %convert_element_type3A_60 = arith.extui %eq3A_59 : i1 to i32
      %cond3A_61 = arith.constant 0 : i32
      %cond3A_62 = arith.cmpi ne, %convert_element_type3A_60, %cond3A_61 : i32
      scf.if %cond3A_62 {
        %mul3A_70 = arith.constant 128 : i32
        %mul3A_71 = arith.muli %while3A_55, %mul3A_70 : i32
        %dma_wait3A = tpu.memref_slice %arg6[%mul3A_71] : memref<10112xi32, #tpu.memory_space<vmem>> -> memref<128xi32, #tpu.memory_space<vmem>>
        %dma_wait3A_72 = arith.constant 0 : i32
        %dma_wait3A_73 = arith.constant 0 : i32
        %dma_wait3A_74 = tpu.memref_slice %arg2[%dma_wait3A_72, %dma_wait3A_73] : memref<10240x128xf32, #tpu.memory_space<hbm>> -> memref<10240x128xf32, #tpu.memory_space<hbm>>
        tpu.wait_indirect_dma semaphore(%arg11 : memref<!tpu.dma_semaphore, #tpu.memory_space<semaphore_mem>>) src(%dma_wait3A_74 : memref<10240x128xf32, #tpu.memory_space<hbm>>) dst(%arg9 : memref<128x128xf32, #tpu.memory_space<vmem>>)
        %ge3A = arith.constant 1 : i32
        %ge3A_75 = arith.cmpi sge, %while3A_55, %ge3A : i32
        %convert_element_type3A_76 = arith.extui %ge3A_75 : i1 to i32
        %cond3A_77 = arith.constant 0 : i32
        %cond3A_78 = arith.cmpi ne, %convert_element_type3A_76, %cond3A_77 : i32
        scf.if %cond3A_78 {
          %dma_wait3A_95 = arith.constant 0 : i32
          %dma_wait3A_96 = arith.constant 0 : i32
          %dma_wait3A_97 = tpu.memref_slice %arg17[%dma_wait3A_95, %dma_wait3A_96] : memref<10240x128xf32, #tpu.memory_space<vmem_shared>> -> memref<10240x128xf32, #tpu.memory_space<vmem_shared>>
          tpu.wait_indirect_dma semaphore(%arg16 : memref<!tpu.dma_semaphore, #tpu.memory_space<semaphore_mem>>) src(%arg10 : memref<128x128xf32, #tpu.memory_space<vmem>>) dst(%dma_wait3A_97 : memref<10240x128xf32, #tpu.memory_space<vmem_shared>>)
        } else {
        }
        %add3A_79 = arith.constant 1 : i32
        %add3A_80 = arith.addi %while3A_55, %add3A_79 : i32
        %lt3A_81 = arith.cmpi slt, %add3A_80, %add3A_7 : i32
        %convert_element_type3A_82 = arith.extui %lt3A_81 : i1 to i32
        %cond3A_83 = arith.constant 0 : i32
        %cond3A_84 = arith.cmpi ne, %convert_element_type3A_82, %cond3A_83 : i32
        scf.if %cond3A_84 {
          %add3A_95 = arith.constant 1 : i32
          %add3A_96 = arith.addi %while3A_55, %add3A_95 : i32
          %add3A_97 = arith.addi %add3A_4, %add3A_96 : i32
          %mul3A_98 = arith.constant 128 : i32
          %mul3A_99 = arith.muli %add3A_97, %mul3A_98 : i32
          %dma_start3A_100 = arith.constant 0 : i32
          %dma_start3A_101 = tpu.memref_slice %arg3[%dma_start3A_100, %mul3A_99] : memref<2x320000xi32, #tpu.memory_space<hbm>> -> memref<1x128xi32, #tpu.memory_space<hbm>>
          %dma_start3A_102 = tpu.memref_squeeze %dma_start3A_101 : memref<1x128xi32, #tpu.memory_space<hbm>> -> memref<128xi32, #tpu.memory_space<hbm>>
          %dma_start3A_103 = tpu.memref_slice %arg3[%dma_start3A_100, %mul3A_99] : memref<2x320000xi32, #tpu.memory_space<hbm>> -> memref<1x128xi32, #tpu.memory_space<hbm>>
          %dma_start3A_104 = tpu.memref_squeeze %dma_start3A_103 : memref<1x128xi32, #tpu.memory_space<hbm>> -> memref<128xi32, #tpu.memory_space<hbm>>
          tpu.enqueue_dma source(%dma_start3A_104 : memref<128xi32, #tpu.memory_space<hbm>>) target(%arg8 : memref<128xi32, #tpu.memory_space<vmem>>) target_semaphore(%arg14 : memref<!tpu.dma_semaphore, #tpu.memory_space<semaphore_mem>>)
          %add3A_105 = arith.constant 1 : i32
          %add3A_106 = arith.addi %while3A_55, %add3A_105 : i32
          %mul3A_107 = arith.constant 128 : i32
          %mul3A_108 = arith.muli %add3A_106, %mul3A_107 : i32
          %dma_start3A_109 = tpu.memref_slice %arg6[%mul3A_108] : memref<10112xi32, #tpu.memory_space<vmem>> -> memref<128xi32, #tpu.memory_space<vmem>>
          %dma_start3A_110 = arith.constant 0 : i32
          %dma_start3A_111 = arith.constant 0 : i32
          %dma_start3A_112 = tpu.memref_slice %arg2[%dma_start3A_110, %dma_start3A_111] : memref<10240x128xf32, #tpu.memory_space<hbm>> -> memref<10240x128xf32, #tpu.memory_space<hbm>>
          tpu.enqueue_indirect_dma source(%dma_start3A_112 : memref<10240x128xf32, #tpu.memory_space<hbm>>) target(%arg10 : memref<128x128xf32, #tpu.memory_space<vmem>>) offsets(%dma_start3A_109 : memref<128xi32, #tpu.memory_space<vmem>>) semaphore(%arg12 : memref<!tpu.dma_semaphore, #tpu.memory_space<semaphore_mem>>)
        } else {
        }
        %add3A_85 = arith.addi %add3A_4, %while3A_55 : i32
        %mul3A_86 = arith.constant 128 : i32
        %mul3A_87 = arith.muli %add3A_85, %mul3A_86 : i32
        %dma_wait3A_88 = arith.constant 0 : i32
        %dma_wait3A_89 = tpu.memref_slice %arg3[%dma_wait3A_88, %mul3A_87] : memref<2x320000xi32, #tpu.memory_space<hbm>> -> memref<1x128xi32, #tpu.memory_space<hbm>>
        %dma_wait3A_90 = tpu.memref_squeeze %dma_wait3A_89 : memref<1x128xi32, #tpu.memory_space<hbm>> -> memref<128xi32, #tpu.memory_space<hbm>>
        %dma_wait3A_91 = tpu.memref_slice %arg3[%dma_wait3A_88, %mul3A_87] : memref<2x320000xi32, #tpu.memory_space<hbm>> -> memref<1x128xi32, #tpu.memory_space<hbm>>
        %dma_wait3A_92 = tpu.memref_squeeze %dma_wait3A_91 : memref<1x128xi32, #tpu.memory_space<hbm>> -> memref<128xi32, #tpu.memory_space<hbm>>
        tpu.wait_dma2 semaphore(%arg13 : memref<!tpu.dma_semaphore, #tpu.memory_space<semaphore_mem>>) src(%dma_wait3A_92 : memref<128xi32, #tpu.memory_space<hbm>>) dst(%arg7 : memref<128xi32, #tpu.memory_space<vmem>>)
        %dma_start3A = arith.constant 0 : i32
        %dma_start3A_93 = arith.constant 0 : i32
        %dma_start3A_94 = tpu.memref_slice %arg17[%dma_start3A, %dma_start3A_93] : memref<10240x128xf32, #tpu.memory_space<vmem_shared>> -> memref<10240x128xf32, #tpu.memory_space<vmem_shared>>
        tpu.enqueue_indirect_dma source(%arg9 : memref<128x128xf32, #tpu.memory_space<vmem>>) target(%dma_start3A_94 : memref<10240x128xf32, #tpu.memory_space<vmem_shared>>) offsets(%arg7 : memref<128xi32, #tpu.memory_space<vmem>>) semaphore(%arg15 : memref<!tpu.dma_semaphore, #tpu.memory_space<semaphore_mem>>) {add = true}
      } else {
      }
      %rem3A_63 = arith.constant 2 : i32
      %rem3A_64 = arith.remsi %while3A_55, %rem3A_63 : i32
      %eq3A_65 = arith.constant 1 : i32
      %eq3A_66 = arith.cmpi eq, %rem3A_64, %eq3A_65 : i32
      %convert_element_type3A_67 = arith.extui %eq3A_66 : i1 to i32
      %cond3A_68 = arith.constant 0 : i32
      %cond3A_69 = arith.cmpi ne, %convert_element_type3A_67, %cond3A_68 : i32
      scf.if %cond3A_69 {
        %mul3A_70 = arith.constant 128 : i32
        %mul3A_71 = arith.muli %while3A_55, %mul3A_70 : i32
        %dma_wait3A = tpu.memref_slice %arg6[%mul3A_71] : memref<10112xi32, #tpu.memory_space<vmem>> -> memref<128xi32, #tpu.memory_space<vmem>>
        %dma_wait3A_72 = arith.constant 0 : i32
        %dma_wait3A_73 = arith.constant 0 : i32
        %dma_wait3A_74 = tpu.memref_slice %arg2[%dma_wait3A_72, %dma_wait3A_73] : memref<10240x128xf32, #tpu.memory_space<hbm>> -> memref<10240x128xf32, #tpu.memory_space<hbm>>
        tpu.wait_indirect_dma semaphore(%arg12 : memref<!tpu.dma_semaphore, #tpu.memory_space<semaphore_mem>>) src(%dma_wait3A_74 : memref<10240x128xf32, #tpu.memory_space<hbm>>) dst(%arg10 : memref<128x128xf32, #tpu.memory_space<vmem>>)
        %ge3A = arith.constant 1 : i32
        %ge3A_75 = arith.cmpi sge, %while3A_55, %ge3A : i32
        %convert_element_type3A_76 = arith.extui %ge3A_75 : i1 to i32
        %cond3A_77 = arith.constant 0 : i32
        %cond3A_78 = arith.cmpi ne, %convert_element_type3A_76, %cond3A_77 : i32
        scf.if %cond3A_78 {
          %dma_wait3A_95 = arith.constant 0 : i32
          %dma_wait3A_96 = arith.constant 0 : i32
          %dma_wait3A_97 = tpu.memref_slice %arg17[%dma_wait3A_95, %dma_wait3A_96] : memref<10240x128xf32, #tpu.memory_space<vmem_shared>> -> memref<10240x128xf32, #tpu.memory_space<vmem_shared>>
          tpu.wait_indirect_dma semaphore(%arg15 : memref<!tpu.dma_semaphore, #tpu.memory_space<semaphore_mem>>) src(%arg9 : memref<128x128xf32, #tpu.memory_space<vmem>>) dst(%dma_wait3A_97 : memref<10240x128xf32, #tpu.memory_space<vmem_shared>>)
        } else {
        }
        %add3A_79 = arith.constant 1 : i32
        %add3A_80 = arith.addi %while3A_55, %add3A_79 : i32
        %lt3A_81 = arith.cmpi slt, %add3A_80, %add3A_7 : i32
        %convert_element_type3A_82 = arith.extui %lt3A_81 : i1 to i32
        %cond3A_83 = arith.constant 0 : i32
        %cond3A_84 = arith.cmpi ne, %convert_element_type3A_82, %cond3A_83 : i32
        scf.if %cond3A_84 {
          %add3A_95 = arith.constant 1 : i32
          %add3A_96 = arith.addi %while3A_55, %add3A_95 : i32
          %add3A_97 = arith.addi %add3A_4, %add3A_96 : i32
          %mul3A_98 = arith.constant 128 : i32
          %mul3A_99 = arith.muli %add3A_97, %mul3A_98 : i32
          %dma_start3A_100 = arith.constant 0 : i32
          %dma_start3A_101 = tpu.memref_slice %arg3[%dma_start3A_100, %mul3A_99] : memref<2x320000xi32, #tpu.memory_space<hbm>> -> memref<1x128xi32, #tpu.memory_space<hbm>>
          %dma_start3A_102 = tpu.memref_squeeze %dma_start3A_101 : memref<1x128xi32, #tpu.memory_space<hbm>> -> memref<128xi32, #tpu.memory_space<hbm>>
          %dma_start3A_103 = tpu.memref_slice %arg3[%dma_start3A_100, %mul3A_99] : memref<2x320000xi32, #tpu.memory_space<hbm>> -> memref<1x128xi32, #tpu.memory_space<hbm>>
          %dma_start3A_104 = tpu.memref_squeeze %dma_start3A_103 : memref<1x128xi32, #tpu.memory_space<hbm>> -> memref<128xi32, #tpu.memory_space<hbm>>
          tpu.enqueue_dma source(%dma_start3A_104 : memref<128xi32, #tpu.memory_space<hbm>>) target(%arg7 : memref<128xi32, #tpu.memory_space<vmem>>) target_semaphore(%arg13 : memref<!tpu.dma_semaphore, #tpu.memory_space<semaphore_mem>>)
          %add3A_105 = arith.constant 1 : i32
          %add3A_106 = arith.addi %while3A_55, %add3A_105 : i32
          %mul3A_107 = arith.constant 128 : i32
          %mul3A_108 = arith.muli %add3A_106, %mul3A_107 : i32
          %dma_start3A_109 = tpu.memref_slice %arg6[%mul3A_108] : memref<10112xi32, #tpu.memory_space<vmem>> -> memref<128xi32, #tpu.memory_space<vmem>>
          %dma_start3A_110 = arith.constant 0 : i32
          %dma_start3A_111 = arith.constant 0 : i32
          %dma_start3A_112 = tpu.memref_slice %arg2[%dma_start3A_110, %dma_start3A_111] : memref<10240x128xf32, #tpu.memory_space<hbm>> -> memref<10240x128xf32, #tpu.memory_space<hbm>>
          tpu.enqueue_indirect_dma source(%dma_start3A_112 : memref<10240x128xf32, #tpu.memory_space<hbm>>) target(%arg9 : memref<128x128xf32, #tpu.memory_space<vmem>>) offsets(%dma_start3A_109 : memref<128xi32, #tpu.memory_space<vmem>>) semaphore(%arg11 : memref<!tpu.dma_semaphore, #tpu.memory_space<semaphore_mem>>)
        } else {
        }
        %add3A_85 = arith.addi %add3A_4, %while3A_55 : i32
        %mul3A_86 = arith.constant 128 : i32
        %mul3A_87 = arith.muli %add3A_85, %mul3A_86 : i32
        %dma_wait3A_88 = arith.constant 0 : i32
        %dma_wait3A_89 = tpu.memref_slice %arg3[%dma_wait3A_88, %mul3A_87] : memref<2x320000xi32, #tpu.memory_space<hbm>> -> memref<1x128xi32, #tpu.memory_space<hbm>>
        %dma_wait3A_90 = tpu.memref_squeeze %dma_wait3A_89 : memref<1x128xi32, #tpu.memory_space<hbm>> -> memref<128xi32, #tpu.memory_space<hbm>>
        %dma_wait3A_91 = tpu.memref_slice %arg3[%dma_wait3A_88, %mul3A_87] : memref<2x320000xi32, #tpu.memory_space<hbm>> -> memref<1x128xi32, #tpu.memory_space<hbm>>
        %dma_wait3A_92 = tpu.memref_squeeze %dma_wait3A_91 : memref<1x128xi32, #tpu.memory_space<hbm>> -> memref<128xi32, #tpu.memory_space<hbm>>
        tpu.wait_dma2 semaphore(%arg14 : memref<!tpu.dma_semaphore, #tpu.memory_space<semaphore_mem>>) src(%dma_wait3A_92 : memref<128xi32, #tpu.memory_space<hbm>>) dst(%arg8 : memref<128xi32, #tpu.memory_space<vmem>>)
        %dma_start3A = arith.constant 0 : i32
        %dma_start3A_93 = arith.constant 0 : i32
        %dma_start3A_94 = tpu.memref_slice %arg17[%dma_start3A, %dma_start3A_93] : memref<10240x128xf32, #tpu.memory_space<vmem_shared>> -> memref<10240x128xf32, #tpu.memory_space<vmem_shared>>
        tpu.enqueue_indirect_dma source(%arg10 : memref<128x128xf32, #tpu.memory_space<vmem>>) target(%dma_start3A_94 : memref<10240x128xf32, #tpu.memory_space<vmem_shared>>) offsets(%arg8 : memref<128xi32, #tpu.memory_space<vmem>>) semaphore(%arg16 : memref<!tpu.dma_semaphore, #tpu.memory_space<semaphore_mem>>) {add = true}
      } else {
      }
    }
    %gt3A_30 = arith.constant 0 : i32
    %gt3A_31 = arith.cmpi sgt, %add3A_7, %gt3A_30 : i32
    %sub3A = arith.constant 1 : i32
    %sub3A_32 = arith.subi %add3A_7, %sub3A : i32
    %rem3A = arith.constant 2 : i32
    %rem3A_33 = arith.remsi %sub3A_32, %rem3A : i32
    %eq3A = arith.constant 0 : i32
    %eq3A_34 = arith.cmpi eq, %rem3A_33, %eq3A : i32
    %and3A = arith.andi %gt3A_31, %eq3A_34 : i1
    %convert_element_type3A_35 = arith.extui %and3A : i1 to i32
    %cond3A_36 = arith.constant 0 : i32
    %cond3A_37 = arith.cmpi ne, %convert_element_type3A_35, %cond3A_36 : i32
    scf.if %cond3A_37 {
      %dma_wait3A = arith.constant 0 : i32
      %dma_wait3A_55 = arith.constant 0 : i32
      %dma_wait3A_56 = tpu.memref_slice %arg17[%dma_wait3A, %dma_wait3A_55] : memref<10240x128xf32, #tpu.memory_space<vmem_shared>> -> memref<10240x128xf32, #tpu.memory_space<vmem_shared>>
      tpu.wait_indirect_dma semaphore(%arg15 : memref<!tpu.dma_semaphore, #tpu.memory_space<semaphore_mem>>) src(%arg9 : memref<128x128xf32, #tpu.memory_space<vmem>>) dst(%dma_wait3A_56 : memref<10240x128xf32, #tpu.memory_space<vmem_shared>>)
    } else {
    }
    %gt3A_38 = arith.constant 0 : i32
    %gt3A_39 = arith.cmpi sgt, %add3A_7, %gt3A_38 : i32
    %sub3A_40 = arith.constant 1 : i32
    %sub3A_41 = arith.subi %add3A_7, %sub3A_40 : i32
    %rem3A_42 = arith.constant 2 : i32
    %rem3A_43 = arith.remsi %sub3A_41, %rem3A_42 : i32
    %eq3A_44 = arith.constant 1 : i32
    %eq3A_45 = arith.cmpi eq, %rem3A_43, %eq3A_44 : i32
    %and3A_46 = arith.andi %gt3A_39, %eq3A_45 : i1
    %convert_element_type3A_47 = arith.extui %and3A_46 : i1 to i32
    %cond3A_48 = arith.constant 0 : i32
    %cond3A_49 = arith.cmpi ne, %convert_element_type3A_47, %cond3A_48 : i32
    scf.if %cond3A_49 {
      %dma_wait3A = arith.constant 0 : i32
      %dma_wait3A_55 = arith.constant 0 : i32
      %dma_wait3A_56 = tpu.memref_slice %arg17[%dma_wait3A, %dma_wait3A_55] : memref<10240x128xf32, #tpu.memory_space<vmem_shared>> -> memref<10240x128xf32, #tpu.memory_space<vmem_shared>>
      tpu.wait_indirect_dma semaphore(%arg16 : memref<!tpu.dma_semaphore, #tpu.memory_space<semaphore_mem>>) src(%arg10 : memref<128x128xf32, #tpu.memory_space<vmem>>) dst(%dma_wait3A_56 : memref<10240x128xf32, #tpu.memory_space<vmem_shared>>)
    } else {
    }
    %barrier3A_50 = arith.constant 0 : index
    tpu.barrier barrier_id(%barrier3A_50)
    %mul3A_51 = arith.constant 640 : i32
    %mul3A_52 = arith.muli %arg1, %mul3A_51 : i32
    %mul3A_53 = arith.constant 640 : i32
    %mul3A_54 = arith.muli %arg1, %mul3A_53 : i32
    "tpu.region"() ({
      %run_scoped3A_55 = tpu.sem_alloc : memref<!tpu.dma_semaphore, #tpu.memory_space<semaphore_mem>>
      %dma_start3A = arith.constant 0 : i32
      %dma_start3A_56 = tpu.memref_slice %arg5[%arg0, %mul3A_54, %dma_start3A] : memref<2x10240x128xf32, #tpu.memory_space<hbm>> -> memref<1x640x128xf32, #tpu.memory_space<hbm>>
      %dma_start3A_57 = tpu.memref_squeeze %dma_start3A_56 : memref<1x640x128xf32, #tpu.memory_space<hbm>> -> memref<640x128xf32, #tpu.memory_space<hbm>>
      %dma_start3A_58 = arith.constant 0 : i32
      %dma_start3A_59 = tpu.memref_slice %arg17[%mul3A_52, %dma_start3A_58] : memref<10240x128xf32, #tpu.memory_space<vmem_shared>> -> memref<640x128xf32, #tpu.memory_space<vmem_shared>>
      tpu.enqueue_dma source(%dma_start3A_59 : memref<640x128xf32, #tpu.memory_space<vmem_shared>>) target(%dma_start3A_57 : memref<640x128xf32, #tpu.memory_space<hbm>>) target_semaphore(%run_scoped3A_55 : memref<!tpu.dma_semaphore, #tpu.memory_space<semaphore_mem>>)
      %dma_wait3A = arith.constant 0 : i32
      %dma_wait3A_60 = tpu.memref_slice %arg5[%arg0, %mul3A_54, %dma_wait3A] : memref<2x10240x128xf32, #tpu.memory_space<hbm>> -> memref<1x640x128xf32, #tpu.memory_space<hbm>>
      %dma_wait3A_61 = tpu.memref_squeeze %dma_wait3A_60 : memref<1x640x128xf32, #tpu.memory_space<hbm>> -> memref<640x128xf32, #tpu.memory_space<hbm>>
      %dma_wait3A_62 = arith.constant 0 : i32
      %dma_wait3A_63 = tpu.memref_slice %arg17[%mul3A_52, %dma_wait3A_62] : memref<10240x128xf32, #tpu.memory_space<vmem_shared>> -> memref<640x128xf32, #tpu.memory_space<vmem_shared>>
      tpu.wait_dma2 semaphore(%run_scoped3A_55 : memref<!tpu.dma_semaphore, #tpu.memory_space<semaphore_mem>>) src(%dma_wait3A_63 : memref<640x128xf32, #tpu.memory_space<vmem_shared>>) dst(%dma_wait3A_61 : memref<640x128xf32, #tpu.memory_space<hbm>>)
      tpu.yield
    }) : () -> ()
    return
  }
}

#map = affine_map<(d0, d1) -> (0, 0)>
#map1 = affine_map<(d0, d1) -> (0)>
module attributes {stable_mosaic.version = 14 : i64} {
  func.func @_sc_hist(%arg0: i32, %arg1: i32, %arg2: memref<2x320000xi32, #tpu.memory_space<hbm>>, %arg3: memref<640xf32, #tpu.memory_space<hbm>>, %arg4: memref<10240xf32, #tpu.memory_space<hbm>>, %arg5: memref<10240xf32, #tpu.memory_space<hbm>>, %arg6: memref<10112xi32, #tpu.memory_space<vmem>>, %arg7: memref<128xi32, #tpu.memory_space<vmem>>, %arg8: memref<128xf32, #tpu.memory_space<vmem>>, %arg9: memref<10240xf32, #tpu.memory_space<vmem_shared>>, %arg10: memref<!tpu.dma_semaphore, #tpu.memory_space<semaphore_mem>>) attributes {dimension_semantics = [#tpu.dimension_semantics<core_parallel>, #tpu.dimension_semantics<subcore_parallel>], iteration_bounds = array<i64: 2, 16>, scalar_prefetch = 0 : i64, scratch_operands = 5 : i64, tpu.core_type = #tpu.core_type<sc_vector_subcore>, window_params = [{transform_indices = #map}, {transform_indices = #map1}, {transform_indices = #map1}, {transform_indices = #map1}]} {
    %mul3A = arith.constant 16 : i32
    %mul3A_0 = arith.muli %arg0, %mul3A : i32
    %add3A = arith.addi %mul3A_0, %arg1 : i32
    %mul3A_1 = arith.constant 78 : i32
    %mul3A_2 = arith.muli %add3A, %mul3A_1 : i32
    %min3A = arith.constant 4 : i32
    %min3A_3 = arith.minsi %add3A, %min3A : i32
    %add3A_4 = arith.addi %mul3A_2, %min3A_3 : i32
    %lt3A = arith.constant 4 : i32
    %lt3A_5 = arith.cmpi slt, %add3A, %lt3A : i32
    %convert_element_type3A = arith.extui %lt3A_5 : i1 to i32
    %add3A_6 = arith.constant 78 : i32
    %add3A_7 = arith.addi %add3A_6, %convert_element_type3A : i32
    %broadcast_in_dim3A = arith.constant 1.000000e+00 : f32
    %broadcast_in_dim3A_8 = vector.broadcast %broadcast_in_dim3A : f32 to vector<16xf32>
    %swap3A = arith.constant 0 : index
    %swap3A_9 = tpu.vector_load %arg8[%swap3A] {strides = array<i32>} : memref<128xf32, #tpu.memory_space<vmem>>, vector<16xf32>,
    %swap3A_10 = vector.shape_cast %swap3A_9 : vector<16xf32> to vector<16xf32>
    %swap3A_11 = vector.shape_cast %broadcast_in_dim3A_8 : vector<16xf32> to vector<16xf32>
    tpu.vector_store %arg8[%swap3A], %swap3A_11 {strides = array<i32>} : memref<128xf32, #tpu.memory_space<vmem>>, vector<16xf32>,
    %broadcast_in_dim3A_12 = arith.constant 1.000000e+00 : f32
    %broadcast_in_dim3A_13 = vector.broadcast %broadcast_in_dim3A_12 : f32 to vector<16xf32>
    %swap3A_14 = arith.constant 16 : index
    %swap3A_15 = tpu.vector_load %arg8[%swap3A_14] {strides = array<i32>} : memref<128xf32, #tpu.memory_space<vmem>>, vector<16xf32>,
    %swap3A_16 = vector.shape_cast %swap3A_15 : vector<16xf32> to vector<16xf32>
    %swap3A_17 = vector.shape_cast %broadcast_in_dim3A_13 : vector<16xf32> to vector<16xf32>
    tpu.vector_store %arg8[%swap3A_14], %swap3A_17 {strides = array<i32>} : memref<128xf32, #tpu.memory_space<vmem>>, vector<16xf32>,
    %broadcast_in_dim3A_18 = arith.constant 1.000000e+00 : f32
    %broadcast_in_dim3A_19 = vector.broadcast %broadcast_in_dim3A_18 : f32 to vector<16xf32>
    %swap3A_20 = arith.constant 32 : index
    %swap3A_21 = tpu.vector_load %arg8[%swap3A_20] {strides = array<i32>} : memref<128xf32, #tpu.memory_space<vmem>>, vector<16xf32>,
    %swap3A_22 = vector.shape_cast %swap3A_21 : vector<16xf32> to vector<16xf32>
    %swap3A_23 = vector.shape_cast %broadcast_in_dim3A_19 : vector<16xf32> to vector<16xf32>
    tpu.vector_store %arg8[%swap3A_20], %swap3A_23 {strides = array<i32>} : memref<128xf32, #tpu.memory_space<vmem>>, vector<16xf32>,
    %broadcast_in_dim3A_24 = arith.constant 1.000000e+00 : f32
    %broadcast_in_dim3A_25 = vector.broadcast %broadcast_in_dim3A_24 : f32 to vector<16xf32>
    %swap3A_26 = arith.constant 48 : index
    %swap3A_27 = tpu.vector_load %arg8[%swap3A_26] {strides = array<i32>} : memref<128xf32, #tpu.memory_space<vmem>>, vector<16xf32>,
    %swap3A_28 = vector.shape_cast %swap3A_27 : vector<16xf32> to vector<16xf32>
    %swap3A_29 = vector.shape_cast %broadcast_in_dim3A_25 : vector<16xf32> to vector<16xf32>
    tpu.vector_store %arg8[%swap3A_26], %swap3A_29 {strides = array<i32>} : memref<128xf32, #tpu.memory_space<vmem>>, vector<16xf32>,
    %broadcast_in_dim3A_30 = arith.constant 1.000000e+00 : f32
    %broadcast_in_dim3A_31 = vector.broadcast %broadcast_in_dim3A_30 : f32 to vector<16xf32>
    %swap3A_32 = arith.constant 64 : index
    %swap3A_33 = tpu.vector_load %arg8[%swap3A_32] {strides = array<i32>} : memref<128xf32, #tpu.memory_space<vmem>>, vector<16xf32>,
    %swap3A_34 = vector.shape_cast %swap3A_33 : vector<16xf32> to vector<16xf32>
    %swap3A_35 = vector.shape_cast %broadcast_in_dim3A_31 : vector<16xf32> to vector<16xf32>
    tpu.vector_store %arg8[%swap3A_32], %swap3A_35 {strides = array<i32>} : memref<128xf32, #tpu.memory_space<vmem>>, vector<16xf32>,
    %broadcast_in_dim3A_36 = arith.constant 1.000000e+00 : f32
    %broadcast_in_dim3A_37 = vector.broadcast %broadcast_in_dim3A_36 : f32 to vector<16xf32>
    %swap3A_38 = arith.constant 80 : index
    %swap3A_39 = tpu.vector_load %arg8[%swap3A_38] {strides = array<i32>} : memref<128xf32, #tpu.memory_space<vmem>>, vector<16xf32>,
    %swap3A_40 = vector.shape_cast %swap3A_39 : vector<16xf32> to vector<16xf32>
    %swap3A_41 = vector.shape_cast %broadcast_in_dim3A_37 : vector<16xf32> to vector<16xf32>
    tpu.vector_store %arg8[%swap3A_38], %swap3A_41 {strides = array<i32>} : memref<128xf32, #tpu.memory_space<vmem>>, vector<16xf32>,
    %broadcast_in_dim3A_42 = arith.constant 1.000000e+00 : f32
    %broadcast_in_dim3A_43 = vector.broadcast %broadcast_in_dim3A_42 : f32 to vector<16xf32>
    %swap3A_44 = arith.constant 96 : index
    %swap3A_45 = tpu.vector_load %arg8[%swap3A_44] {strides = array<i32>} : memref<128xf32, #tpu.memory_space<vmem>>, vector<16xf32>,
    %swap3A_46 = vector.shape_cast %swap3A_45 : vector<16xf32> to vector<16xf32>
    %swap3A_47 = vector.shape_cast %broadcast_in_dim3A_43 : vector<16xf32> to vector<16xf32>
    tpu.vector_store %arg8[%swap3A_44], %swap3A_47 {strides = array<i32>} : memref<128xf32, #tpu.memory_space<vmem>>, vector<16xf32>,
    %broadcast_in_dim3A_48 = arith.constant 1.000000e+00 : f32
    %broadcast_in_dim3A_49 = vector.broadcast %broadcast_in_dim3A_48 : f32 to vector<16xf32>
    %swap3A_50 = arith.constant 112 : index
    %swap3A_51 = tpu.vector_load %arg8[%swap3A_50] {strides = array<i32>} : memref<128xf32, #tpu.memory_space<vmem>>, vector<16xf32>,
    %swap3A_52 = vector.shape_cast %swap3A_51 : vector<16xf32> to vector<16xf32>
    %swap3A_53 = vector.shape_cast %broadcast_in_dim3A_49 : vector<16xf32> to vector<16xf32>
    tpu.vector_store %arg8[%swap3A_50], %swap3A_53 {strides = array<i32>} : memref<128xf32, #tpu.memory_space<vmem>>, vector<16xf32>,
    %mul3A_54 = arith.constant 128 : i32
    %mul3A_55 = arith.muli %add3A_4, %mul3A_54 : i32
    %run_scoped3A = arith.constant 1 : i32
    "tpu.region"() ({
      %run_scoped3A_82 = tpu.sem_alloc : memref<!tpu.dma_semaphore, #tpu.memory_space<semaphore_mem>>
      %dma_start3A = arith.constant 0 : i32
      %dma_start3A_83 = tpu.memref_slice %arg6[%dma_start3A] : memref<10112xi32, #tpu.memory_space<vmem>> -> memref<9984xi32, #tpu.memory_space<vmem>>
      %dma_start3A_84 = arith.constant 0 : i32
      %dma_start3A_85 = tpu.memref_slice %arg2[%run_scoped3A, %dma_start3A_84] : memref<2x320000xi32, #tpu.memory_space<hbm>> -> memref<1x320000xi32, #tpu.memory_space<hbm>>
      %dma_start3A_86 = tpu.memref_squeeze %dma_start3A_85 : memref<1x320000xi32, #tpu.memory_space<hbm>> -> memref<320000xi32, #tpu.memory_space<hbm>>
      %dma_start3A_87 = tpu.memref_slice %dma_start3A_86[%mul3A_55] : memref<320000xi32, #tpu.memory_space<hbm>> -> memref<9984xi32, #tpu.memory_space<hbm>>
      %dma_start3A_88 = arith.constant 0 : i32
      %dma_start3A_89 = tpu.memref_slice %arg6[%dma_start3A_88] : memref<10112xi32, #tpu.memory_space<vmem>> -> memref<9984xi32, #tpu.memory_space<vmem>>
      %dma_start3A_90 = arith.constant 0 : i32
      %dma_start3A_91 = tpu.memref_slice %arg2[%run_scoped3A, %dma_start3A_90] : memref<2x320000xi32, #tpu.memory_space<hbm>> -> memref<1x320000xi32, #tpu.memory_space<hbm>>
      %dma_start3A_92 = tpu.memref_squeeze %dma_start3A_91 : memref<1x320000xi32, #tpu.memory_space<hbm>> -> memref<320000xi32, #tpu.memory_space<hbm>>
      %dma_start3A_93 = tpu.memref_slice %dma_start3A_92[%mul3A_55] : memref<320000xi32, #tpu.memory_space<hbm>> -> memref<9984xi32, #tpu.memory_space<hbm>>
      tpu.enqueue_dma source(%dma_start3A_93 : memref<9984xi32, #tpu.memory_space<hbm>>) target(%dma_start3A_89 : memref<9984xi32, #tpu.memory_space<vmem>>) target_semaphore(%run_scoped3A_82 : memref<!tpu.dma_semaphore, #tpu.memory_space<semaphore_mem>>)
      %dma_wait3A = arith.constant 0 : i32
      %dma_wait3A_94 = tpu.memref_slice %arg6[%dma_wait3A] : memref<10112xi32, #tpu.memory_space<vmem>> -> memref<9984xi32, #tpu.memory_space<vmem>>
      %dma_wait3A_95 = arith.constant 0 : i32
      %dma_wait3A_96 = tpu.memref_slice %arg2[%run_scoped3A, %dma_wait3A_95] : memref<2x320000xi32, #tpu.memory_space<hbm>> -> memref<1x320000xi32, #tpu.memory_space<hbm>>
      %dma_wait3A_97 = tpu.memref_squeeze %dma_wait3A_96 : memref<1x320000xi32, #tpu.memory_space<hbm>> -> memref<320000xi32, #tpu.memory_space<hbm>>
      %dma_wait3A_98 = tpu.memref_slice %dma_wait3A_97[%mul3A_55] : memref<320000xi32, #tpu.memory_space<hbm>> -> memref<9984xi32, #tpu.memory_space<hbm>>
      %dma_wait3A_99 = arith.constant 0 : i32
      %dma_wait3A_100 = tpu.memref_slice %arg6[%dma_wait3A_99] : memref<10112xi32, #tpu.memory_space<vmem>> -> memref<9984xi32, #tpu.memory_space<vmem>>
      %dma_wait3A_101 = arith.constant 0 : i32
      %dma_wait3A_102 = tpu.memref_slice %arg2[%run_scoped3A, %dma_wait3A_101] : memref<2x320000xi32, #tpu.memory_space<hbm>> -> memref<1x320000xi32, #tpu.memory_space<hbm>>
      %dma_wait3A_103 = tpu.memref_squeeze %dma_wait3A_102 : memref<1x320000xi32, #tpu.memory_space<hbm>> -> memref<320000xi32, #tpu.memory_space<hbm>>
      %dma_wait3A_104 = tpu.memref_slice %dma_wait3A_103[%mul3A_55] : memref<320000xi32, #tpu.memory_space<hbm>> -> memref<9984xi32, #tpu.memory_space<hbm>>
      tpu.wait_dma2 semaphore(%run_scoped3A_82 : memref<!tpu.dma_semaphore, #tpu.memory_space<semaphore_mem>>) src(%dma_wait3A_104 : memref<9984xi32, #tpu.memory_space<hbm>>) dst(%dma_wait3A_100 : memref<9984xi32, #tpu.memory_space<vmem>>)
      tpu.yield
    }) : () -> ()
    %lt3A_56 = arith.constant 4 : i32
    %lt3A_57 = arith.cmpi slt, %add3A, %lt3A_56 : i32
    %convert_element_type3A_58 = arith.extui %lt3A_57 : i1 to i32
    %cond3A = arith.constant 1 : i32
    %cond3A_59 = arith.constant 0 : i32
    %cond3A_60 = arith.cmpi ne, %convert_element_type3A_58, %cond3A_59 : i32
    scf.if %cond3A_60 {
      %add3A_82 = arith.constant 78 : i32
      %add3A_83 = arith.addi %add3A_4, %add3A_82 : i32
      %mul3A_84 = arith.constant 128 : i32
      %mul3A_85 = arith.muli %add3A_83, %mul3A_84 : i32
      "tpu.region"() ({
        %run_scoped3A_86 = tpu.sem_alloc : memref<!tpu.dma_semaphore, #tpu.memory_space<semaphore_mem>>
        %dma_start3A = arith.constant 9984 : i32
        %dma_start3A_87 = tpu.memref_slice %arg6[%dma_start3A] : memref<10112xi32, #tpu.memory_space<vmem>> -> memref<128xi32, #tpu.memory_space<vmem>>
        %dma_start3A_88 = arith.constant 0 : i32
        %dma_start3A_89 = tpu.memref_slice %arg2[%cond3A, %dma_start3A_88] : memref<2x320000xi32, #tpu.memory_space<hbm>> -> memref<1x320000xi32, #tpu.memory_space<hbm>>
        %dma_start3A_90 = tpu.memref_squeeze %dma_start3A_89 : memref<1x320000xi32, #tpu.memory_space<hbm>> -> memref<320000xi32, #tpu.memory_space<hbm>>
        %dma_start3A_91 = tpu.memref_slice %dma_start3A_90[%mul3A_85] : memref<320000xi32, #tpu.memory_space<hbm>> -> memref<128xi32, #tpu.memory_space<hbm>>
        %dma_start3A_92 = arith.constant 9984 : i32
        %dma_start3A_93 = tpu.memref_slice %arg6[%dma_start3A_92] : memref<10112xi32, #tpu.memory_space<vmem>> -> memref<128xi32, #tpu.memory_space<vmem>>
        %dma_start3A_94 = arith.constant 0 : i32
        %dma_start3A_95 = tpu.memref_slice %arg2[%cond3A, %dma_start3A_94] : memref<2x320000xi32, #tpu.memory_space<hbm>> -> memref<1x320000xi32, #tpu.memory_space<hbm>>
        %dma_start3A_96 = tpu.memref_squeeze %dma_start3A_95 : memref<1x320000xi32, #tpu.memory_space<hbm>> -> memref<320000xi32, #tpu.memory_space<hbm>>
        %dma_start3A_97 = tpu.memref_slice %dma_start3A_96[%mul3A_85] : memref<320000xi32, #tpu.memory_space<hbm>> -> memref<128xi32, #tpu.memory_space<hbm>>
        tpu.enqueue_dma source(%dma_start3A_97 : memref<128xi32, #tpu.memory_space<hbm>>) target(%dma_start3A_93 : memref<128xi32, #tpu.memory_space<vmem>>) target_semaphore(%run_scoped3A_86 : memref<!tpu.dma_semaphore, #tpu.memory_space<semaphore_mem>>)
        %dma_wait3A = arith.constant 9984 : i32
        %dma_wait3A_98 = tpu.memref_slice %arg6[%dma_wait3A] : memref<10112xi32, #tpu.memory_space<vmem>> -> memref<128xi32, #tpu.memory_space<vmem>>
        %dma_wait3A_99 = arith.constant 0 : i32
        %dma_wait3A_100 = tpu.memref_slice %arg2[%cond3A, %dma_wait3A_99] : memref<2x320000xi32, #tpu.memory_space<hbm>> -> memref<1x320000xi32, #tpu.memory_space<hbm>>
        %dma_wait3A_101 = tpu.memref_squeeze %dma_wait3A_100 : memref<1x320000xi32, #tpu.memory_space<hbm>> -> memref<320000xi32, #tpu.memory_space<hbm>>
        %dma_wait3A_102 = tpu.memref_slice %dma_wait3A_101[%mul3A_85] : memref<320000xi32, #tpu.memory_space<hbm>> -> memref<128xi32, #tpu.memory_space<hbm>>
        %dma_wait3A_103 = arith.constant 9984 : i32
        %dma_wait3A_104 = tpu.memref_slice %arg6[%dma_wait3A_103] : memref<10112xi32, #tpu.memory_space<vmem>> -> memref<128xi32, #tpu.memory_space<vmem>>
        %dma_wait3A_105 = arith.constant 0 : i32
        %dma_wait3A_106 = tpu.memref_slice %arg2[%cond3A, %dma_wait3A_105] : memref<2x320000xi32, #tpu.memory_space<hbm>> -> memref<1x320000xi32, #tpu.memory_space<hbm>>
        %dma_wait3A_107 = tpu.memref_squeeze %dma_wait3A_106 : memref<1x320000xi32, #tpu.memory_space<hbm>> -> memref<320000xi32, #tpu.memory_space<hbm>>
        %dma_wait3A_108 = tpu.memref_slice %dma_wait3A_107[%mul3A_85] : memref<320000xi32, #tpu.memory_space<hbm>> -> memref<128xi32, #tpu.memory_space<hbm>>
        tpu.wait_dma2 semaphore(%run_scoped3A_86 : memref<!tpu.dma_semaphore, #tpu.memory_space<semaphore_mem>>) src(%dma_wait3A_108 : memref<128xi32, #tpu.memory_space<hbm>>) dst(%dma_wait3A_104 : memref<128xi32, #tpu.memory_space<vmem>>)
        tpu.yield
      }) : () -> ()
    } else {
    }
    %mul3A_61 = arith.constant 640 : i32
    %mul3A_62 = arith.muli %arg1, %mul3A_61 : i32
    "tpu.region"() ({
      %run_scoped3A_82 = tpu.sem_alloc : memref<!tpu.dma_semaphore, #tpu.memory_space<semaphore_mem>>
      %dma_start3A = tpu.memref_slice %arg9[%mul3A_62] : memref<10240xf32, #tpu.memory_space<vmem_shared>> -> memref<640xf32, #tpu.memory_space<vmem_shared>>
      tpu.enqueue_dma source(%arg3 : memref<640xf32, #tpu.memory_space<hbm>>) target(%dma_start3A : memref<640xf32, #tpu.memory_space<vmem_shared>>) target_semaphore(%run_scoped3A_82 : memref<!tpu.dma_semaphore, #tpu.memory_space<semaphore_mem>>)
      %dma_wait3A = tpu.memref_slice %arg9[%mul3A_62] : memref<10240xf32, #tpu.memory_space<vmem_shared>> -> memref<640xf32, #tpu.memory_space<vmem_shared>>
      tpu.wait_dma2 semaphore(%run_scoped3A_82 : memref<!tpu.dma_semaphore, #tpu.memory_space<semaphore_mem>>) src(%arg3 : memref<640xf32, #tpu.memory_space<hbm>>) dst(%dma_wait3A : memref<640xf32, #tpu.memory_space<vmem_shared>>)
      tpu.yield
    }) : () -> ()
    %barrier3A = arith.constant 0 : index
    tpu.barrier barrier_id(%barrier3A)
    %while3A = arith.constant 0 : i32
    %while3A_63 = arith.constant 0 : i32
    %while3A_64 = arith.subi %add3A_7, %while3A_63 : i32
    %while3A_65 = arith.addi %while3A_63, %while3A_64 : i32
    %while3A_66 = arith.constant 1 : i32
    %while3A_67 = arith.divsi %while3A_64, %while3A_66 : i32
    %while3A_68 = arith.muli %while3A_67, %while3A_66 : i32
    %while3A_69 = arith.addi %while3A_63, %while3A_68 : i32
    %while3A_70 = arith.constant 1 : i32
    scf.for %while3A_82 = %while3A_63 to %while3A_69 step %while3A_70  : i32 {
      %mul3A_83 = arith.constant 128 : i32
      %mul3A_84 = arith.muli %while3A_82, %mul3A_83 : i32
      %add3A_85 = arith.constant 0 : i32
      %add3A_86 = arith.addi %mul3A_84, %add3A_85 : i32
      %get3A = arith.index_cast %add3A_86 : i32 to index
      %get3A_87 = tpu.vector_load %arg6[%get3A] {strides = array<i32>} : memref<10112xi32, #tpu.memory_space<vmem>>, vector<16xi32>,
      %get3A_88 = vector.shape_cast %get3A_87 : vector<16xi32> to vector<16xi32>
      %swap3A_89 = arith.constant 0 : index
      %swap3A_90 = tpu.vector_load %arg7[%swap3A_89] {strides = array<i32>} : memref<128xi32, #tpu.memory_space<vmem>>, vector<16xi32>,
      %swap3A_91 = vector.shape_cast %swap3A_90 : vector<16xi32> to vector<16xi32>
      %swap3A_92 = vector.shape_cast %get3A_88 : vector<16xi32> to vector<16xi32>
      tpu.vector_store %arg7[%swap3A_89], %swap3A_92 {strides = array<i32>} : memref<128xi32, #tpu.memory_space<vmem>>, vector<16xi32>,
      %mul3A_93 = arith.constant 128 : i32
      %mul3A_94 = arith.muli %while3A_82, %mul3A_93 : i32
      %add3A_95 = arith.constant 16 : i32
      %add3A_96 = arith.addi %mul3A_94, %add3A_95 : i32
      %get3A_97 = arith.index_cast %add3A_96 : i32 to index
      %get3A_98 = tpu.vector_load %arg6[%get3A_97] {strides = array<i32>} : memref<10112xi32, #tpu.memory_space<vmem>>, vector<16xi32>,
      %get3A_99 = vector.shape_cast %get3A_98 : vector<16xi32> to vector<16xi32>
      %swap3A_100 = arith.constant 16 : index
      %swap3A_101 = tpu.vector_load %arg7[%swap3A_100] {strides = array<i32>} : memref<128xi32, #tpu.memory_space<vmem>>, vector<16xi32>,
      %swap3A_102 = vector.shape_cast %swap3A_101 : vector<16xi32> to vector<16xi32>
      %swap3A_103 = vector.shape_cast %get3A_99 : vector<16xi32> to vector<16xi32>
      tpu.vector_store %arg7[%swap3A_100], %swap3A_103 {strides = array<i32>} : memref<128xi32, #tpu.memory_space<vmem>>, vector<16xi32>,
      %mul3A_104 = arith.constant 128 : i32
      %mul3A_105 = arith.muli %while3A_82, %mul3A_104 : i32
      %add3A_106 = arith.constant 32 : i32
      %add3A_107 = arith.addi %mul3A_105, %add3A_106 : i32
      %get3A_108 = arith.index_cast %add3A_107 : i32 to index
      %get3A_109 = tpu.vector_load %arg6[%get3A_108] {strides = array<i32>} : memref<10112xi32, #tpu.memory_space<vmem>>, vector<16xi32>,
      %get3A_110 = vector.shape_cast %get3A_109 : vector<16xi32> to vector<16xi32>
      %swap3A_111 = arith.constant 32 : index
      %swap3A_112 = tpu.vector_load %arg7[%swap3A_111] {strides = array<i32>} : memref<128xi32, #tpu.memory_space<vmem>>, vector<16xi32>,
      %swap3A_113 = vector.shape_cast %swap3A_112 : vector<16xi32> to vector<16xi32>
      %swap3A_114 = vector.shape_cast %get3A_110 : vector<16xi32> to vector<16xi32>
      tpu.vector_store %arg7[%swap3A_111], %swap3A_114 {strides = array<i32>} : memref<128xi32, #tpu.memory_space<vmem>>, vector<16xi32>,
      %mul3A_115 = arith.constant 128 : i32
      %mul3A_116 = arith.muli %while3A_82, %mul3A_115 : i32
      %add3A_117 = arith.constant 48 : i32
      %add3A_118 = arith.addi %mul3A_116, %add3A_117 : i32
      %get3A_119 = arith.index_cast %add3A_118 : i32 to index
      %get3A_120 = tpu.vector_load %arg6[%get3A_119] {strides = array<i32>} : memref<10112xi32, #tpu.memory_space<vmem>>, vector<16xi32>,
      %get3A_121 = vector.shape_cast %get3A_120 : vector<16xi32> to vector<16xi32>
      %swap3A_122 = arith.constant 48 : index
      %swap3A_123 = tpu.vector_load %arg7[%swap3A_122] {strides = array<i32>} : memref<128xi32, #tpu.memory_space<vmem>>, vector<16xi32>,
      %swap3A_124 = vector.shape_cast %swap3A_123 : vector<16xi32> to vector<16xi32>
      %swap3A_125 = vector.shape_cast %get3A_121 : vector<16xi32> to vector<16xi32>
      tpu.vector_store %arg7[%swap3A_122], %swap3A_125 {strides = array<i32>} : memref<128xi32, #tpu.memory_space<vmem>>, vector<16xi32>,
      %mul3A_126 = arith.constant 128 : i32
      %mul3A_127 = arith.muli %while3A_82, %mul3A_126 : i32
      %add3A_128 = arith.constant 64 : i32
      %add3A_129 = arith.addi %mul3A_127, %add3A_128 : i32
      %get3A_130 = arith.index_cast %add3A_129 : i32 to index
      %get3A_131 = tpu.vector_load %arg6[%get3A_130] {strides = array<i32>} : memref<10112xi32, #tpu.memory_space<vmem>>, vector<16xi32>,
      %get3A_132 = vector.shape_cast %get3A_131 : vector<16xi32> to vector<16xi32>
      %swap3A_133 = arith.constant 64 : index
      %swap3A_134 = tpu.vector_load %arg7[%swap3A_133] {strides = array<i32>} : memref<128xi32, #tpu.memory_space<vmem>>, vector<16xi32>,
      %swap3A_135 = vector.shape_cast %swap3A_134 : vector<16xi32> to vector<16xi32>
      %swap3A_136 = vector.shape_cast %get3A_132 : vector<16xi32> to vector<16xi32>
      tpu.vector_store %arg7[%swap3A_133], %swap3A_136 {strides = array<i32>} : memref<128xi32, #tpu.memory_space<vmem>>, vector<16xi32>,
      %mul3A_137 = arith.constant 128 : i32
      %mul3A_138 = arith.muli %while3A_82, %mul3A_137 : i32
      %add3A_139 = arith.constant 80 : i32
      %add3A_140 = arith.addi %mul3A_138, %add3A_139 : i32
      %get3A_141 = arith.index_cast %add3A_140 : i32 to index
      %get3A_142 = tpu.vector_load %arg6[%get3A_141] {strides = array<i32>} : memref<10112xi32, #tpu.memory_space<vmem>>, vector<16xi32>,
      %get3A_143 = vector.shape_cast %get3A_142 : vector<16xi32> to vector<16xi32>
      %swap3A_144 = arith.constant 80 : index
      %swap3A_145 = tpu.vector_load %arg7[%swap3A_144] {strides = array<i32>} : memref<128xi32, #tpu.memory_space<vmem>>, vector<16xi32>,
      %swap3A_146 = vector.shape_cast %swap3A_145 : vector<16xi32> to vector<16xi32>
      %swap3A_147 = vector.shape_cast %get3A_143 : vector<16xi32> to vector<16xi32>
      tpu.vector_store %arg7[%swap3A_144], %swap3A_147 {strides = array<i32>} : memref<128xi32, #tpu.memory_space<vmem>>, vector<16xi32>,
      %mul3A_148 = arith.constant 128 : i32
      %mul3A_149 = arith.muli %while3A_82, %mul3A_148 : i32
      %add3A_150 = arith.constant 96 : i32
      %add3A_151 = arith.addi %mul3A_149, %add3A_150 : i32
      %get3A_152 = arith.index_cast %add3A_151 : i32 to index
      %get3A_153 = tpu.vector_load %arg6[%get3A_152] {strides = array<i32>} : memref<10112xi32, #tpu.memory_space<vmem>>, vector<16xi32>,
      %get3A_154 = vector.shape_cast %get3A_153 : vector<16xi32> to vector<16xi32>
      %swap3A_155 = arith.constant 96 : index
      %swap3A_156 = tpu.vector_load %arg7[%swap3A_155] {strides = array<i32>} : memref<128xi32, #tpu.memory_space<vmem>>, vector<16xi32>,
      %swap3A_157 = vector.shape_cast %swap3A_156 : vector<16xi32> to vector<16xi32>
      %swap3A_158 = vector.shape_cast %get3A_154 : vector<16xi32> to vector<16xi32>
      tpu.vector_store %arg7[%swap3A_155], %swap3A_158 {strides = array<i32>} : memref<128xi32, #tpu.memory_space<vmem>>, vector<16xi32>,
      %mul3A_159 = arith.constant 128 : i32
      %mul3A_160 = arith.muli %while3A_82, %mul3A_159 : i32
      %add3A_161 = arith.constant 112 : i32
      %add3A_162 = arith.addi %mul3A_160, %add3A_161 : i32
      %get3A_163 = arith.index_cast %add3A_162 : i32 to index
      %get3A_164 = tpu.vector_load %arg6[%get3A_163] {strides = array<i32>} : memref<10112xi32, #tpu.memory_space<vmem>>, vector<16xi32>,
      %get3A_165 = vector.shape_cast %get3A_164 : vector<16xi32> to vector<16xi32>
      %swap3A_166 = arith.constant 112 : index
      %swap3A_167 = tpu.vector_load %arg7[%swap3A_166] {strides = array<i32>} : memref<128xi32, #tpu.memory_space<vmem>>, vector<16xi32>,
      %swap3A_168 = vector.shape_cast %swap3A_167 : vector<16xi32> to vector<16xi32>
      %swap3A_169 = vector.shape_cast %get3A_165 : vector<16xi32> to vector<16xi32>
      tpu.vector_store %arg7[%swap3A_166], %swap3A_169 {strides = array<i32>} : memref<128xi32, #tpu.memory_space<vmem>>, vector<16xi32>,
      "tpu.region"() ({
        %run_scoped3A_170 = tpu.sem_alloc : memref<!tpu.dma_semaphore, #tpu.memory_space<semaphore_mem>>
        %dma_start3A = arith.constant 0 : i32
        %dma_start3A_171 = tpu.memref_slice %arg9[%dma_start3A] : memref<10240xf32, #tpu.memory_space<vmem_shared>> -> memref<10240xf32, #tpu.memory_space<vmem_shared>>
        tpu.enqueue_indirect_dma source(%arg8 : memref<128xf32, #tpu.memory_space<vmem>>) target(%dma_start3A_171 : memref<10240xf32, #tpu.memory_space<vmem_shared>>) offsets(%arg7 : memref<128xi32, #tpu.memory_space<vmem>>) semaphore(%run_scoped3A_170 : memref<!tpu.dma_semaphore, #tpu.memory_space<semaphore_mem>>) {add = true}
        %dma_wait3A = arith.constant 0 : i32
        %dma_wait3A_172 = tpu.memref_slice %arg9[%dma_wait3A] : memref<10240xf32, #tpu.memory_space<vmem_shared>> -> memref<10240xf32, #tpu.memory_space<vmem_shared>>
        tpu.wait_indirect_dma semaphore(%run_scoped3A_170 : memref<!tpu.dma_semaphore, #tpu.memory_space<semaphore_mem>>) src(%arg8 : memref<128xf32, #tpu.memory_space<vmem>>) dst(%dma_wait3A_172 : memref<10240xf32, #tpu.memory_space<vmem_shared>>)
        tpu.yield
      }) : () -> ()
    }
    %while3A_71 = arith.constant 1 : i32
    scf.for %while3A_82 = %while3A_69 to %while3A_65 step %while3A_71  : i32 {
      %mul3A_83 = arith.constant 128 : i32
      %mul3A_84 = arith.muli %while3A_82, %mul3A_83 : i32
      %add3A_85 = arith.constant 0 : i32
      %add3A_86 = arith.addi %mul3A_84, %add3A_85 : i32
      %get3A = arith.index_cast %add3A_86 : i32 to index
      %get3A_87 = tpu.vector_load %arg6[%get3A] {strides = array<i32>} : memref<10112xi32, #tpu.memory_space<vmem>>, vector<16xi32>,
      %get3A_88 = vector.shape_cast %get3A_87 : vector<16xi32> to vector<16xi32>
      %swap3A_89 = arith.constant 0 : index
      %swap3A_90 = tpu.vector_load %arg7[%swap3A_89] {strides = array<i32>} : memref<128xi32, #tpu.memory_space<vmem>>, vector<16xi32>,
      %swap3A_91 = vector.shape_cast %swap3A_90 : vector<16xi32> to vector<16xi32>
      %swap3A_92 = vector.shape_cast %get3A_88 : vector<16xi32> to vector<16xi32>
      tpu.vector_store %arg7[%swap3A_89], %swap3A_92 {strides = array<i32>} : memref<128xi32, #tpu.memory_space<vmem>>, vector<16xi32>,
      %mul3A_93 = arith.constant 128 : i32
      %mul3A_94 = arith.muli %while3A_82, %mul3A_93 : i32
      %add3A_95 = arith.constant 16 : i32
      %add3A_96 = arith.addi %mul3A_94, %add3A_95 : i32
      %get3A_97 = arith.index_cast %add3A_96 : i32 to index
      %get3A_98 = tpu.vector_load %arg6[%get3A_97] {strides = array<i32>} : memref<10112xi32, #tpu.memory_space<vmem>>, vector<16xi32>,
      %get3A_99 = vector.shape_cast %get3A_98 : vector<16xi32> to vector<16xi32>
      %swap3A_100 = arith.constant 16 : index
      %swap3A_101 = tpu.vector_load %arg7[%swap3A_100] {strides = array<i32>} : memref<128xi32, #tpu.memory_space<vmem>>, vector<16xi32>,
      %swap3A_102 = vector.shape_cast %swap3A_101 : vector<16xi32> to vector<16xi32>
      %swap3A_103 = vector.shape_cast %get3A_99 : vector<16xi32> to vector<16xi32>
      tpu.vector_store %arg7[%swap3A_100], %swap3A_103 {strides = array<i32>} : memref<128xi32, #tpu.memory_space<vmem>>, vector<16xi32>,
      %mul3A_104 = arith.constant 128 : i32
      %mul3A_105 = arith.muli %while3A_82, %mul3A_104 : i32
      %add3A_106 = arith.constant 32 : i32
      %add3A_107 = arith.addi %mul3A_105, %add3A_106 : i32
      %get3A_108 = arith.index_cast %add3A_107 : i32 to index
      %get3A_109 = tpu.vector_load %arg6[%get3A_108] {strides = array<i32>} : memref<10112xi32, #tpu.memory_space<vmem>>, vector<16xi32>,
      %get3A_110 = vector.shape_cast %get3A_109 : vector<16xi32> to vector<16xi32>
      %swap3A_111 = arith.constant 32 : index
      %swap3A_112 = tpu.vector_load %arg7[%swap3A_111] {strides = array<i32>} : memref<128xi32, #tpu.memory_space<vmem>>, vector<16xi32>,
      %swap3A_113 = vector.shape_cast %swap3A_112 : vector<16xi32> to vector<16xi32>
      %swap3A_114 = vector.shape_cast %get3A_110 : vector<16xi32> to vector<16xi32>
      tpu.vector_store %arg7[%swap3A_111], %swap3A_114 {strides = array<i32>} : memref<128xi32, #tpu.memory_space<vmem>>, vector<16xi32>,
      %mul3A_115 = arith.constant 128 : i32
      %mul3A_116 = arith.muli %while3A_82, %mul3A_115 : i32
      %add3A_117 = arith.constant 48 : i32
      %add3A_118 = arith.addi %mul3A_116, %add3A_117 : i32
      %get3A_119 = arith.index_cast %add3A_118 : i32 to index
      %get3A_120 = tpu.vector_load %arg6[%get3A_119] {strides = array<i32>} : memref<10112xi32, #tpu.memory_space<vmem>>, vector<16xi32>,
      %get3A_121 = vector.shape_cast %get3A_120 : vector<16xi32> to vector<16xi32>
      %swap3A_122 = arith.constant 48 : index
      %swap3A_123 = tpu.vector_load %arg7[%swap3A_122] {strides = array<i32>} : memref<128xi32, #tpu.memory_space<vmem>>, vector<16xi32>,
      %swap3A_124 = vector.shape_cast %swap3A_123 : vector<16xi32> to vector<16xi32>
      %swap3A_125 = vector.shape_cast %get3A_121 : vector<16xi32> to vector<16xi32>
      tpu.vector_store %arg7[%swap3A_122], %swap3A_125 {strides = array<i32>} : memref<128xi32, #tpu.memory_space<vmem>>, vector<16xi32>,
      %mul3A_126 = arith.constant 128 : i32
      %mul3A_127 = arith.muli %while3A_82, %mul3A_126 : i32
      %add3A_128 = arith.constant 64 : i32
      %add3A_129 = arith.addi %mul3A_127, %add3A_128 : i32
      %get3A_130 = arith.index_cast %add3A_129 : i32 to index
      %get3A_131 = tpu.vector_load %arg6[%get3A_130] {strides = array<i32>} : memref<10112xi32, #tpu.memory_space<vmem>>, vector<16xi32>,
      %get3A_132 = vector.shape_cast %get3A_131 : vector<16xi32> to vector<16xi32>
      %swap3A_133 = arith.constant 64 : index
      %swap3A_134 = tpu.vector_load %arg7[%swap3A_133] {strides = array<i32>} : memref<128xi32, #tpu.memory_space<vmem>>, vector<16xi32>,
      %swap3A_135 = vector.shape_cast %swap3A_134 : vector<16xi32> to vector<16xi32>
      %swap3A_136 = vector.shape_cast %get3A_132 : vector<16xi32> to vector<16xi32>
      tpu.vector_store %arg7[%swap3A_133], %swap3A_136 {strides = array<i32>} : memref<128xi32, #tpu.memory_space<vmem>>, vector<16xi32>,
      %mul3A_137 = arith.constant 128 : i32
      %mul3A_138 = arith.muli %while3A_82, %mul3A_137 : i32
      %add3A_139 = arith.constant 80 : i32
      %add3A_140 = arith.addi %mul3A_138, %add3A_139 : i32
      %get3A_141 = arith.index_cast %add3A_140 : i32 to index
      %get3A_142 = tpu.vector_load %arg6[%get3A_141] {strides = array<i32>} : memref<10112xi32, #tpu.memory_space<vmem>>, vector<16xi32>,
      %get3A_143 = vector.shape_cast %get3A_142 : vector<16xi32> to vector<16xi32>
      %swap3A_144 = arith.constant 80 : index
      %swap3A_145 = tpu.vector_load %arg7[%swap3A_144] {strides = array<i32>} : memref<128xi32, #tpu.memory_space<vmem>>, vector<16xi32>,
      %swap3A_146 = vector.shape_cast %swap3A_145 : vector<16xi32> to vector<16xi32>
      %swap3A_147 = vector.shape_cast %get3A_143 : vector<16xi32> to vector<16xi32>
      tpu.vector_store %arg7[%swap3A_144], %swap3A_147 {strides = array<i32>} : memref<128xi32, #tpu.memory_space<vmem>>, vector<16xi32>,
      %mul3A_148 = arith.constant 128 : i32
      %mul3A_149 = arith.muli %while3A_82, %mul3A_148 : i32
      %add3A_150 = arith.constant 96 : i32
      %add3A_151 = arith.addi %mul3A_149, %add3A_150 : i32
      %get3A_152 = arith.index_cast %add3A_151 : i32 to index
      %get3A_153 = tpu.vector_load %arg6[%get3A_152] {strides = array<i32>} : memref<10112xi32, #tpu.memory_space<vmem>>, vector<16xi32>,
      %get3A_154 = vector.shape_cast %get3A_153 : vector<16xi32> to vector<16xi32>
      %swap3A_155 = arith.constant 96 : index
      %swap3A_156 = tpu.vector_load %arg7[%swap3A_155] {strides = array<i32>} : memref<128xi32, #tpu.memory_space<vmem>>, vector<16xi32>,
      %swap3A_157 = vector.shape_cast %swap3A_156 : vector<16xi32> to vector<16xi32>
      %swap3A_158 = vector.shape_cast %get3A_154 : vector<16xi32> to vector<16xi32>
      tpu.vector_store %arg7[%swap3A_155], %swap3A_158 {strides = array<i32>} : memref<128xi32, #tpu.memory_space<vmem>>, vector<16xi32>,
      %mul3A_159 = arith.constant 128 : i32
      %mul3A_160 = arith.muli %while3A_82, %mul3A_159 : i32
      %add3A_161 = arith.constant 112 : i32
      %add3A_162 = arith.addi %mul3A_160, %add3A_161 : i32
      %get3A_163 = arith.index_cast %add3A_162 : i32 to index
      %get3A_164 = tpu.vector_load %arg6[%get3A_163] {strides = array<i32>} : memref<10112xi32, #tpu.memory_space<vmem>>, vector<16xi32>,
      %get3A_165 = vector.shape_cast %get3A_164 : vector<16xi32> to vector<16xi32>
      %swap3A_166 = arith.constant 112 : index
      %swap3A_167 = tpu.vector_load %arg7[%swap3A_166] {strides = array<i32>} : memref<128xi32, #tpu.memory_space<vmem>>, vector<16xi32>,
      %swap3A_168 = vector.shape_cast %swap3A_167 : vector<16xi32> to vector<16xi32>
      %swap3A_169 = vector.shape_cast %get3A_165 : vector<16xi32> to vector<16xi32>
      tpu.vector_store %arg7[%swap3A_166], %swap3A_169 {strides = array<i32>} : memref<128xi32, #tpu.memory_space<vmem>>, vector<16xi32>,
      "tpu.region"() ({
        %run_scoped3A_170 = tpu.sem_alloc : memref<!tpu.dma_semaphore, #tpu.memory_space<semaphore_mem>>
        %dma_start3A = arith.constant 0 : i32
        %dma_start3A_171 = tpu.memref_slice %arg9[%dma_start3A] : memref<10240xf32, #tpu.memory_space<vmem_shared>> -> memref<10240xf32, #tpu.memory_space<vmem_shared>>
        tpu.enqueue_indirect_dma source(%arg8 : memref<128xf32, #tpu.memory_space<vmem>>) target(%dma_start3A_171 : memref<10240xf32, #tpu.memory_space<vmem_shared>>) offsets(%arg7 : memref<128xi32, #tpu.memory_space<vmem>>) semaphore(%run_scoped3A_170 : memref<!tpu.dma_semaphore, #tpu.memory_space<semaphore_mem>>) {add = true}
        %dma_wait3A = arith.constant 0 : i32
        %dma_wait3A_172 = tpu.memref_slice %arg9[%dma_wait3A] : memref<10240xf32, #tpu.memory_space<vmem_shared>> -> memref<10240xf32, #tpu.memory_space<vmem_shared>>
        tpu.wait_indirect_dma semaphore(%run_scoped3A_170 : memref<!tpu.dma_semaphore, #tpu.memory_space<semaphore_mem>>) src(%arg8 : memref<128xf32, #tpu.memory_space<vmem>>) dst(%dma_wait3A_172 : memref<10240xf32, #tpu.memory_space<vmem_shared>>)
        tpu.yield
      }) : () -> ()
    }
    %barrier3A_72 = arith.constant 0 : index
    tpu.barrier barrier_id(%barrier3A_72)
    %eq3A = arith.constant 0 : i32
    %eq3A_73 = arith.cmpi eq, %arg0, %eq3A : i32
    %convert_element_type3A_74 = arith.extui %eq3A_73 : i1 to i32
    %cond3A_75 = arith.constant 0 : i32
    %cond3A_76 = arith.cmpi ne, %convert_element_type3A_74, %cond3A_75 : i32
    scf.if %cond3A_76 {
      %mul3A_82 = arith.constant 640 : i32
      %mul3A_83 = arith.muli %arg1, %mul3A_82 : i32
      %mul3A_84 = arith.constant 640 : i32
      %mul3A_85 = arith.muli %arg1, %mul3A_84 : i32
      "tpu.region"() ({
        %run_scoped3A_86 = tpu.sem_alloc : memref<!tpu.dma_semaphore, #tpu.memory_space<semaphore_mem>>
        %dma_start3A = tpu.memref_slice %arg4[%mul3A_85] : memref<10240xf32, #tpu.memory_space<hbm>> -> memref<640xf32, #tpu.memory_space<hbm>>
        %dma_start3A_87 = tpu.memref_slice %arg9[%mul3A_83] : memref<10240xf32, #tpu.memory_space<vmem_shared>> -> memref<640xf32, #tpu.memory_space<vmem_shared>>
        tpu.enqueue_dma source(%dma_start3A_87 : memref<640xf32, #tpu.memory_space<vmem_shared>>) target(%dma_start3A : memref<640xf32, #tpu.memory_space<hbm>>) target_semaphore(%run_scoped3A_86 : memref<!tpu.dma_semaphore, #tpu.memory_space<semaphore_mem>>)
        %dma_wait3A = tpu.memref_slice %arg4[%mul3A_85] : memref<10240xf32, #tpu.memory_space<hbm>> -> memref<640xf32, #tpu.memory_space<hbm>>
        %dma_wait3A_88 = tpu.memref_slice %arg9[%mul3A_83] : memref<10240xf32, #tpu.memory_space<vmem_shared>> -> memref<640xf32, #tpu.memory_space<vmem_shared>>
        tpu.wait_dma2 semaphore(%run_scoped3A_86 : memref<!tpu.dma_semaphore, #tpu.memory_space<semaphore_mem>>) src(%dma_wait3A_88 : memref<640xf32, #tpu.memory_space<vmem_shared>>) dst(%dma_wait3A : memref<640xf32, #tpu.memory_space<hbm>>)
        tpu.yield
      }) : () -> ()
    } else {
    }
    %eq3A_77 = arith.constant 1 : i32
    %eq3A_78 = arith.cmpi eq, %arg0, %eq3A_77 : i32
    %convert_element_type3A_79 = arith.extui %eq3A_78 : i1 to i32
    %cond3A_80 = arith.constant 0 : i32
    %cond3A_81 = arith.cmpi ne, %convert_element_type3A_79, %cond3A_80 : i32
    scf.if %cond3A_81 {
      %mul3A_82 = arith.constant 640 : i32
      %mul3A_83 = arith.muli %arg1, %mul3A_82 : i32
      %mul3A_84 = arith.constant 640 : i32
      %mul3A_85 = arith.muli %arg1, %mul3A_84 : i32
      "tpu.region"() ({
        %run_scoped3A_86 = tpu.sem_alloc : memref<!tpu.dma_semaphore, #tpu.memory_space<semaphore_mem>>
        %dma_start3A = tpu.memref_slice %arg5[%mul3A_85] : memref<10240xf32, #tpu.memory_space<hbm>> -> memref<640xf32, #tpu.memory_space<hbm>>
        %dma_start3A_87 = tpu.memref_slice %arg9[%mul3A_83] : memref<10240xf32, #tpu.memory_space<vmem_shared>> -> memref<640xf32, #tpu.memory_space<vmem_shared>>
        tpu.enqueue_dma source(%dma_start3A_87 : memref<640xf32, #tpu.memory_space<vmem_shared>>) target(%dma_start3A : memref<640xf32, #tpu.memory_space<hbm>>) target_semaphore(%run_scoped3A_86 : memref<!tpu.dma_semaphore, #tpu.memory_space<semaphore_mem>>)
        %dma_wait3A = tpu.memref_slice %arg5[%mul3A_85] : memref<10240xf32, #tpu.memory_space<hbm>> -> memref<640xf32, #tpu.memory_space<hbm>>
        %dma_wait3A_88 = tpu.memref_slice %arg9[%mul3A_83] : memref<10240xf32, #tpu.memory_space<vmem_shared>> -> memref<640xf32, #tpu.memory_space<vmem_shared>>
        tpu.wait_dma2 semaphore(%run_scoped3A_86 : memref<!tpu.dma_semaphore, #tpu.memory_space<semaphore_mem>>) src(%dma_wait3A_88 : memref<640xf32, #tpu.memory_space<vmem_shared>>) dst(%dma_wait3A : memref<640xf32, #tpu.memory_space<hbm>>)
        tpu.yield
      }) : () -> ()
    } else {
    }
    return
  }
}

#map = affine_map<(d0, d1) -> (0, 0)>
#map1 = affine_map<(d0, d1) -> (0, 0, 0)>
module attributes {stable_mosaic.version = 14 : i64} {
  func.func @_sc_pass(%arg0: i32, %arg1: i32, %arg2: memref<10240x128xf32, #tpu.memory_space<hbm>>, %arg3: memref<2x320000xi32, #tpu.memory_space<hbm>>, %arg4: memref<640x128xf32, #tpu.memory_space<hbm>>, %arg5: memref<2x10240x128xf32, #tpu.memory_space<hbm>>, %arg6: memref<10112xi32, #tpu.memory_space<vmem>>, %arg7: memref<128xi32, #tpu.memory_space<vmem>>, %arg8: memref<128xi32, #tpu.memory_space<vmem>>, %arg9: memref<128x128xf32, #tpu.memory_space<vmem>>, %arg10: memref<128x128xf32, #tpu.memory_space<vmem>>, %arg11: memref<!tpu.dma_semaphore, #tpu.memory_space<semaphore_mem>>, %arg12: memref<!tpu.dma_semaphore, #tpu.memory_space<semaphore_mem>>, %arg13: memref<!tpu.dma_semaphore, #tpu.memory_space<semaphore_mem>>, %arg14: memref<!tpu.dma_semaphore, #tpu.memory_space<semaphore_mem>>, %arg15: memref<!tpu.dma_semaphore, #tpu.memory_space<semaphore_mem>>, %arg16: memref<!tpu.dma_semaphore, #tpu.memory_space<semaphore_mem>>, %arg17: memref<10240x128xf32, #tpu.memory_space<vmem_shared>>) attributes {dimension_semantics = [#tpu.dimension_semantics<core_parallel>, #tpu.dimension_semantics<subcore_parallel>], iteration_bounds = array<i64: 2, 16>, scalar_prefetch = 0 : i64, scratch_operands = 12 : i64, tpu.core_type = #tpu.core_type<sc_vector_subcore>, window_params = [{transform_indices = #map}, {transform_indices = #map}, {transform_indices = #map}, {transform_indices = #map1}]} {
    %mul3A = arith.constant 16 : i32
    %mul3A_0 = arith.muli %arg0, %mul3A : i32
    %add3A = arith.addi %mul3A_0, %arg1 : i32
    %mul3A_1 = arith.constant 78 : i32
    %mul3A_2 = arith.muli %add3A, %mul3A_1 : i32
    %min3A = arith.constant 4 : i32
    %min3A_3 = arith.minsi %add3A, %min3A : i32
    %add3A_4 = arith.addi %mul3A_2, %min3A_3 : i32
    %lt3A = arith.constant 4 : i32
    %lt3A_5 = arith.cmpi slt, %add3A, %lt3A : i32
    %convert_element_type3A = arith.extui %lt3A_5 : i1 to i32
    %add3A_6 = arith.constant 78 : i32
    %add3A_7 = arith.addi %add3A_6, %convert_element_type3A : i32
    %mul3A_8 = arith.constant 128 : i32
    %mul3A_9 = arith.muli %add3A_4, %mul3A_8 : i32
    %run_scoped3A = arith.constant 1 : i32
    "tpu.region"() ({
      %run_scoped3A_55 = tpu.sem_alloc : memref<!tpu.dma_semaphore, #tpu.memory_space<semaphore_mem>>
      %dma_start3A = arith.constant 0 : i32
      %dma_start3A_56 = tpu.memref_slice %arg6[%dma_start3A] : memref<10112xi32, #tpu.memory_space<vmem>> -> memref<9984xi32, #tpu.memory_space<vmem>>
      %dma_start3A_57 = arith.constant 0 : i32
      %dma_start3A_58 = tpu.memref_slice %arg3[%run_scoped3A, %dma_start3A_57] : memref<2x320000xi32, #tpu.memory_space<hbm>> -> memref<1x320000xi32, #tpu.memory_space<hbm>>
      %dma_start3A_59 = tpu.memref_squeeze %dma_start3A_58 : memref<1x320000xi32, #tpu.memory_space<hbm>> -> memref<320000xi32, #tpu.memory_space<hbm>>
      %dma_start3A_60 = tpu.memref_slice %dma_start3A_59[%mul3A_9] : memref<320000xi32, #tpu.memory_space<hbm>> -> memref<9984xi32, #tpu.memory_space<hbm>>
      %dma_start3A_61 = arith.constant 0 : i32
      %dma_start3A_62 = tpu.memref_slice %arg6[%dma_start3A_61] : memref<10112xi32, #tpu.memory_space<vmem>> -> memref<9984xi32, #tpu.memory_space<vmem>>
      %dma_start3A_63 = arith.constant 0 : i32
      %dma_start3A_64 = tpu.memref_slice %arg3[%run_scoped3A, %dma_start3A_63] : memref<2x320000xi32, #tpu.memory_space<hbm>> -> memref<1x320000xi32, #tpu.memory_space<hbm>>
      %dma_start3A_65 = tpu.memref_squeeze %dma_start3A_64 : memref<1x320000xi32, #tpu.memory_space<hbm>> -> memref<320000xi32, #tpu.memory_space<hbm>>
      %dma_start3A_66 = tpu.memref_slice %dma_start3A_65[%mul3A_9] : memref<320000xi32, #tpu.memory_space<hbm>> -> memref<9984xi32, #tpu.memory_space<hbm>>
      tpu.enqueue_dma source(%dma_start3A_66 : memref<9984xi32, #tpu.memory_space<hbm>>) target(%dma_start3A_62 : memref<9984xi32, #tpu.memory_space<vmem>>) target_semaphore(%run_scoped3A_55 : memref<!tpu.dma_semaphore, #tpu.memory_space<semaphore_mem>>)
      %dma_wait3A = arith.constant 0 : i32
      %dma_wait3A_67 = tpu.memref_slice %arg6[%dma_wait3A] : memref<10112xi32, #tpu.memory_space<vmem>> -> memref<9984xi32, #tpu.memory_space<vmem>>
      %dma_wait3A_68 = arith.constant 0 : i32
      %dma_wait3A_69 = tpu.memref_slice %arg3[%run_scoped3A, %dma_wait3A_68] : memref<2x320000xi32, #tpu.memory_space<hbm>> -> memref<1x320000xi32, #tpu.memory_space<hbm>>
      %dma_wait3A_70 = tpu.memref_squeeze %dma_wait3A_69 : memref<1x320000xi32, #tpu.memory_space<hbm>> -> memref<320000xi32, #tpu.memory_space<hbm>>
      %dma_wait3A_71 = tpu.memref_slice %dma_wait3A_70[%mul3A_9] : memref<320000xi32, #tpu.memory_space<hbm>> -> memref<9984xi32, #tpu.memory_space<hbm>>
      %dma_wait3A_72 = arith.constant 0 : i32
      %dma_wait3A_73 = tpu.memref_slice %arg6[%dma_wait3A_72] : memref<10112xi32, #tpu.memory_space<vmem>> -> memref<9984xi32, #tpu.memory_space<vmem>>
      %dma_wait3A_74 = arith.constant 0 : i32
      %dma_wait3A_75 = tpu.memref_slice %arg3[%run_scoped3A, %dma_wait3A_74] : memref<2x320000xi32, #tpu.memory_space<hbm>> -> memref<1x320000xi32, #tpu.memory_space<hbm>>
      %dma_wait3A_76 = tpu.memref_squeeze %dma_wait3A_75 : memref<1x320000xi32, #tpu.memory_space<hbm>> -> memref<320000xi32, #tpu.memory_space<hbm>>
      %dma_wait3A_77 = tpu.memref_slice %dma_wait3A_76[%mul3A_9] : memref<320000xi32, #tpu.memory_space<hbm>> -> memref<9984xi32, #tpu.memory_space<hbm>>
      tpu.wait_dma2 semaphore(%run_scoped3A_55 : memref<!tpu.dma_semaphore, #tpu.memory_space<semaphore_mem>>) src(%dma_wait3A_77 : memref<9984xi32, #tpu.memory_space<hbm>>) dst(%dma_wait3A_73 : memref<9984xi32, #tpu.memory_space<vmem>>)
      tpu.yield
    }) : () -> ()
    %lt3A_10 = arith.constant 4 : i32
    %lt3A_11 = arith.cmpi slt, %add3A, %lt3A_10 : i32
    %convert_element_type3A_12 = arith.extui %lt3A_11 : i1 to i32
    %cond3A = arith.constant 1 : i32
    %cond3A_13 = arith.constant 0 : i32
    %cond3A_14 = arith.cmpi ne, %convert_element_type3A_12, %cond3A_13 : i32
    scf.if %cond3A_14 {
      %add3A_55 = arith.constant 78 : i32
      %add3A_56 = arith.addi %add3A_4, %add3A_55 : i32
      %mul3A_57 = arith.constant 128 : i32
      %mul3A_58 = arith.muli %add3A_56, %mul3A_57 : i32
      "tpu.region"() ({
        %run_scoped3A_59 = tpu.sem_alloc : memref<!tpu.dma_semaphore, #tpu.memory_space<semaphore_mem>>
        %dma_start3A = arith.constant 9984 : i32
        %dma_start3A_60 = tpu.memref_slice %arg6[%dma_start3A] : memref<10112xi32, #tpu.memory_space<vmem>> -> memref<128xi32, #tpu.memory_space<vmem>>
        %dma_start3A_61 = arith.constant 0 : i32
        %dma_start3A_62 = tpu.memref_slice %arg3[%cond3A, %dma_start3A_61] : memref<2x320000xi32, #tpu.memory_space<hbm>> -> memref<1x320000xi32, #tpu.memory_space<hbm>>
        %dma_start3A_63 = tpu.memref_squeeze %dma_start3A_62 : memref<1x320000xi32, #tpu.memory_space<hbm>> -> memref<320000xi32, #tpu.memory_space<hbm>>
        %dma_start3A_64 = tpu.memref_slice %dma_start3A_63[%mul3A_58] : memref<320000xi32, #tpu.memory_space<hbm>> -> memref<128xi32, #tpu.memory_space<hbm>>
        %dma_start3A_65 = arith.constant 9984 : i32
        %dma_start3A_66 = tpu.memref_slice %arg6[%dma_start3A_65] : memref<10112xi32, #tpu.memory_space<vmem>> -> memref<128xi32, #tpu.memory_space<vmem>>
        %dma_start3A_67 = arith.constant 0 : i32
        %dma_start3A_68 = tpu.memref_slice %arg3[%cond3A, %dma_start3A_67] : memref<2x320000xi32, #tpu.memory_space<hbm>> -> memref<1x320000xi32, #tpu.memory_space<hbm>>
        %dma_start3A_69 = tpu.memref_squeeze %dma_start3A_68 : memref<1x320000xi32, #tpu.memory_space<hbm>> -> memref<320000xi32, #tpu.memory_space<hbm>>
        %dma_start3A_70 = tpu.memref_slice %dma_start3A_69[%mul3A_58] : memref<320000xi32, #tpu.memory_space<hbm>> -> memref<128xi32, #tpu.memory_space<hbm>>
        tpu.enqueue_dma source(%dma_start3A_70 : memref<128xi32, #tpu.memory_space<hbm>>) target(%dma_start3A_66 : memref<128xi32, #tpu.memory_space<vmem>>) target_semaphore(%run_scoped3A_59 : memref<!tpu.dma_semaphore, #tpu.memory_space<semaphore_mem>>)
        %dma_wait3A = arith.constant 9984 : i32
        %dma_wait3A_71 = tpu.memref_slice %arg6[%dma_wait3A] : memref<10112xi32, #tpu.memory_space<vmem>> -> memref<128xi32, #tpu.memory_space<vmem>>
        %dma_wait3A_72 = arith.constant 0 : i32
        %dma_wait3A_73 = tpu.memref_slice %arg3[%cond3A, %dma_wait3A_72] : memref<2x320000xi32, #tpu.memory_space<hbm>> -> memref<1x320000xi32, #tpu.memory_space<hbm>>
        %dma_wait3A_74 = tpu.memref_squeeze %dma_wait3A_73 : memref<1x320000xi32, #tpu.memory_space<hbm>> -> memref<320000xi32, #tpu.memory_space<hbm>>
        %dma_wait3A_75 = tpu.memref_slice %dma_wait3A_74[%mul3A_58] : memref<320000xi32, #tpu.memory_space<hbm>> -> memref<128xi32, #tpu.memory_space<hbm>>
        %dma_wait3A_76 = arith.constant 9984 : i32
        %dma_wait3A_77 = tpu.memref_slice %arg6[%dma_wait3A_76] : memref<10112xi32, #tpu.memory_space<vmem>> -> memref<128xi32, #tpu.memory_space<vmem>>
        %dma_wait3A_78 = arith.constant 0 : i32
        %dma_wait3A_79 = tpu.memref_slice %arg3[%cond3A, %dma_wait3A_78] : memref<2x320000xi32, #tpu.memory_space<hbm>> -> memref<1x320000xi32, #tpu.memory_space<hbm>>
        %dma_wait3A_80 = tpu.memref_squeeze %dma_wait3A_79 : memref<1x320000xi32, #tpu.memory_space<hbm>> -> memref<320000xi32, #tpu.memory_space<hbm>>
        %dma_wait3A_81 = tpu.memref_slice %dma_wait3A_80[%mul3A_58] : memref<320000xi32, #tpu.memory_space<hbm>> -> memref<128xi32, #tpu.memory_space<hbm>>
        tpu.wait_dma2 semaphore(%run_scoped3A_59 : memref<!tpu.dma_semaphore, #tpu.memory_space<semaphore_mem>>) src(%dma_wait3A_81 : memref<128xi32, #tpu.memory_space<hbm>>) dst(%dma_wait3A_77 : memref<128xi32, #tpu.memory_space<vmem>>)
        tpu.yield
      }) : () -> ()
    } else {
    }
    %mul3A_15 = arith.constant 640 : i32
    %mul3A_16 = arith.muli %arg1, %mul3A_15 : i32
    "tpu.region"() ({
      %run_scoped3A_55 = tpu.sem_alloc : memref<!tpu.dma_semaphore, #tpu.memory_space<semaphore_mem>>
      %dma_start3A = arith.constant 0 : i32
      %dma_start3A_56 = tpu.memref_slice %arg17[%mul3A_16, %dma_start3A] : memref<10240x128xf32, #tpu.memory_space<vmem_shared>> -> memref<640x128xf32, #tpu.memory_space<vmem_shared>>
      tpu.enqueue_dma source(%arg4 : memref<640x128xf32, #tpu.memory_space<hbm>>) target(%dma_start3A_56 : memref<640x128xf32, #tpu.memory_space<vmem_shared>>) target_semaphore(%run_scoped3A_55 : memref<!tpu.dma_semaphore, #tpu.memory_space<semaphore_mem>>)
      %dma_wait3A = arith.constant 0 : i32
      %dma_wait3A_57 = tpu.memref_slice %arg17[%mul3A_16, %dma_wait3A] : memref<10240x128xf32, #tpu.memory_space<vmem_shared>> -> memref<640x128xf32, #tpu.memory_space<vmem_shared>>
      tpu.wait_dma2 semaphore(%run_scoped3A_55 : memref<!tpu.dma_semaphore, #tpu.memory_space<semaphore_mem>>) src(%arg4 : memref<640x128xf32, #tpu.memory_space<hbm>>) dst(%dma_wait3A_57 : memref<640x128xf32, #tpu.memory_space<vmem_shared>>)
      tpu.yield
    }) : () -> ()
    %barrier3A = arith.constant 0 : index
    tpu.barrier barrier_id(%barrier3A)
    %gt3A = arith.constant 0 : i32
    %gt3A_17 = arith.cmpi sgt, %add3A_7, %gt3A : i32
    %convert_element_type3A_18 = arith.extui %gt3A_17 : i1 to i32
    %cond3A_19 = arith.constant 0 : i32
    %cond3A_20 = arith.cmpi ne, %convert_element_type3A_18, %cond3A_19 : i32
    scf.if %cond3A_20 {
      %add3A_55 = arith.constant 0 : i32
      %add3A_56 = arith.addi %add3A_4, %add3A_55 : i32
      %mul3A_57 = arith.constant 128 : i32
      %mul3A_58 = arith.muli %add3A_56, %mul3A_57 : i32
      %dma_start3A = arith.constant 0 : i32
      %dma_start3A_59 = tpu.memref_slice %arg3[%dma_start3A, %mul3A_58] : memref<2x320000xi32, #tpu.memory_space<hbm>> -> memref<1x128xi32, #tpu.memory_space<hbm>>
      %dma_start3A_60 = tpu.memref_squeeze %dma_start3A_59 : memref<1x128xi32, #tpu.memory_space<hbm>> -> memref<128xi32, #tpu.memory_space<hbm>>
      %dma_start3A_61 = tpu.memref_slice %arg3[%dma_start3A, %mul3A_58] : memref<2x320000xi32, #tpu.memory_space<hbm>> -> memref<1x128xi32, #tpu.memory_space<hbm>>
      %dma_start3A_62 = tpu.memref_squeeze %dma_start3A_61 : memref<1x128xi32, #tpu.memory_space<hbm>> -> memref<128xi32, #tpu.memory_space<hbm>>
      tpu.enqueue_dma source(%dma_start3A_62 : memref<128xi32, #tpu.memory_space<hbm>>) target(%arg7 : memref<128xi32, #tpu.memory_space<vmem>>) target_semaphore(%arg13 : memref<!tpu.dma_semaphore, #tpu.memory_space<semaphore_mem>>)
      %dma_start3A_63 = arith.constant 0 : i32
      %dma_start3A_64 = tpu.memref_slice %arg6[%dma_start3A_63] : memref<10112xi32, #tpu.memory_space<vmem>> -> memref<128xi32, #tpu.memory_space<vmem>>
      %dma_start3A_65 = arith.constant 0 : i32
      %dma_start3A_66 = arith.constant 0 : i32
      %dma_start3A_67 = tpu.memref_slice %arg2[%dma_start3A_65, %dma_start3A_66] : memref<10240x128xf32, #tpu.memory_space<hbm>> -> memref<10240x128xf32, #tpu.memory_space<hbm>>
      tpu.enqueue_indirect_dma source(%dma_start3A_67 : memref<10240x128xf32, #tpu.memory_space<hbm>>) target(%arg9 : memref<128x128xf32, #tpu.memory_space<vmem>>) offsets(%dma_start3A_64 : memref<128xi32, #tpu.memory_space<vmem>>) semaphore(%arg11 : memref<!tpu.dma_semaphore, #tpu.memory_space<semaphore_mem>>)
    } else {
    }
    %while3A = arith.constant 0 : i32
    %while3A_21 = arith.constant 0 : i32
    %while3A_22 = arith.subi %add3A_7, %while3A_21 : i32
    %while3A_23 = arith.addi %while3A_21, %while3A_22 : i32
    %while3A_24 = arith.constant 1 : i32
    %while3A_25 = arith.divsi %while3A_22, %while3A_24 : i32
    %while3A_26 = arith.muli %while3A_25, %while3A_24 : i32
    %while3A_27 = arith.addi %while3A_21, %while3A_26 : i32
    %while3A_28 = arith.constant 1 : i32
    scf.for %while3A_55 = %while3A_21 to %while3A_27 step %while3A_28  : i32 {
      %rem3A_56 = arith.constant 2 : i32
      %rem3A_57 = arith.remsi %while3A_55, %rem3A_56 : i32
      %eq3A_58 = arith.constant 0 : i32
      %eq3A_59 = arith.cmpi eq, %rem3A_57, %eq3A_58 : i32
      %convert_element_type3A_60 = arith.extui %eq3A_59 : i1 to i32
      %cond3A_61 = arith.constant 0 : i32
      %cond3A_62 = arith.cmpi ne, %convert_element_type3A_60, %cond3A_61 : i32
      scf.if %cond3A_62 {
        %mul3A_70 = arith.constant 128 : i32
        %mul3A_71 = arith.muli %while3A_55, %mul3A_70 : i32
        %dma_wait3A = tpu.memref_slice %arg6[%mul3A_71] : memref<10112xi32, #tpu.memory_space<vmem>> -> memref<128xi32, #tpu.memory_space<vmem>>
        %dma_wait3A_72 = arith.constant 0 : i32
        %dma_wait3A_73 = arith.constant 0 : i32
        %dma_wait3A_74 = tpu.memref_slice %arg2[%dma_wait3A_72, %dma_wait3A_73] : memref<10240x128xf32, #tpu.memory_space<hbm>> -> memref<10240x128xf32, #tpu.memory_space<hbm>>
        tpu.wait_indirect_dma semaphore(%arg11 : memref<!tpu.dma_semaphore, #tpu.memory_space<semaphore_mem>>) src(%dma_wait3A_74 : memref<10240x128xf32, #tpu.memory_space<hbm>>) dst(%arg9 : memref<128x128xf32, #tpu.memory_space<vmem>>)
        %ge3A = arith.constant 1 : i32
        %ge3A_75 = arith.cmpi sge, %while3A_55, %ge3A : i32
        %convert_element_type3A_76 = arith.extui %ge3A_75 : i1 to i32
        %cond3A_77 = arith.constant 0 : i32
        %cond3A_78 = arith.cmpi ne, %convert_element_type3A_76, %cond3A_77 : i32
        scf.if %cond3A_78 {
          %dma_wait3A_95 = arith.constant 0 : i32
          %dma_wait3A_96 = arith.constant 0 : i32
          %dma_wait3A_97 = tpu.memref_slice %arg17[%dma_wait3A_95, %dma_wait3A_96] : memref<10240x128xf32, #tpu.memory_space<vmem_shared>> -> memref<10240x128xf32, #tpu.memory_space<vmem_shared>>
          tpu.wait_indirect_dma semaphore(%arg16 : memref<!tpu.dma_semaphore, #tpu.memory_space<semaphore_mem>>) src(%arg10 : memref<128x128xf32, #tpu.memory_space<vmem>>) dst(%dma_wait3A_97 : memref<10240x128xf32, #tpu.memory_space<vmem_shared>>)
        } else {
        }
        %add3A_79 = arith.constant 1 : i32
        %add3A_80 = arith.addi %while3A_55, %add3A_79 : i32
        %lt3A_81 = arith.cmpi slt, %add3A_80, %add3A_7 : i32
        %convert_element_type3A_82 = arith.extui %lt3A_81 : i1 to i32
        %cond3A_83 = arith.constant 0 : i32
        %cond3A_84 = arith.cmpi ne, %convert_element_type3A_82, %cond3A_83 : i32
        scf.if %cond3A_84 {
          %add3A_95 = arith.constant 1 : i32
          %add3A_96 = arith.addi %while3A_55, %add3A_95 : i32
          %add3A_97 = arith.addi %add3A_4, %add3A_96 : i32
          %mul3A_98 = arith.constant 128 : i32
          %mul3A_99 = arith.muli %add3A_97, %mul3A_98 : i32
          %dma_start3A_100 = arith.constant 0 : i32
          %dma_start3A_101 = tpu.memref_slice %arg3[%dma_start3A_100, %mul3A_99] : memref<2x320000xi32, #tpu.memory_space<hbm>> -> memref<1x128xi32, #tpu.memory_space<hbm>>
          %dma_start3A_102 = tpu.memref_squeeze %dma_start3A_101 : memref<1x128xi32, #tpu.memory_space<hbm>> -> memref<128xi32, #tpu.memory_space<hbm>>
          %dma_start3A_103 = tpu.memref_slice %arg3[%dma_start3A_100, %mul3A_99] : memref<2x320000xi32, #tpu.memory_space<hbm>> -> memref<1x128xi32, #tpu.memory_space<hbm>>
          %dma_start3A_104 = tpu.memref_squeeze %dma_start3A_103 : memref<1x128xi32, #tpu.memory_space<hbm>> -> memref<128xi32, #tpu.memory_space<hbm>>
          tpu.enqueue_dma source(%dma_start3A_104 : memref<128xi32, #tpu.memory_space<hbm>>) target(%arg8 : memref<128xi32, #tpu.memory_space<vmem>>) target_semaphore(%arg14 : memref<!tpu.dma_semaphore, #tpu.memory_space<semaphore_mem>>)
          %add3A_105 = arith.constant 1 : i32
          %add3A_106 = arith.addi %while3A_55, %add3A_105 : i32
          %mul3A_107 = arith.constant 128 : i32
          %mul3A_108 = arith.muli %add3A_106, %mul3A_107 : i32
          %dma_start3A_109 = tpu.memref_slice %arg6[%mul3A_108] : memref<10112xi32, #tpu.memory_space<vmem>> -> memref<128xi32, #tpu.memory_space<vmem>>
          %dma_start3A_110 = arith.constant 0 : i32
          %dma_start3A_111 = arith.constant 0 : i32
          %dma_start3A_112 = tpu.memref_slice %arg2[%dma_start3A_110, %dma_start3A_111] : memref<10240x128xf32, #tpu.memory_space<hbm>> -> memref<10240x128xf32, #tpu.memory_space<hbm>>
          tpu.enqueue_indirect_dma source(%dma_start3A_112 : memref<10240x128xf32, #tpu.memory_space<hbm>>) target(%arg10 : memref<128x128xf32, #tpu.memory_space<vmem>>) offsets(%dma_start3A_109 : memref<128xi32, #tpu.memory_space<vmem>>) semaphore(%arg12 : memref<!tpu.dma_semaphore, #tpu.memory_space<semaphore_mem>>)
        } else {
        }
        %add3A_85 = arith.addi %add3A_4, %while3A_55 : i32
        %mul3A_86 = arith.constant 128 : i32
        %mul3A_87 = arith.muli %add3A_85, %mul3A_86 : i32
        %dma_wait3A_88 = arith.constant 0 : i32
        %dma_wait3A_89 = tpu.memref_slice %arg3[%dma_wait3A_88, %mul3A_87] : memref<2x320000xi32, #tpu.memory_space<hbm>> -> memref<1x128xi32, #tpu.memory_space<hbm>>
        %dma_wait3A_90 = tpu.memref_squeeze %dma_wait3A_89 : memref<1x128xi32, #tpu.memory_space<hbm>> -> memref<128xi32, #tpu.memory_space<hbm>>
        %dma_wait3A_91 = tpu.memref_slice %arg3[%dma_wait3A_88, %mul3A_87] : memref<2x320000xi32, #tpu.memory_space<hbm>> -> memref<1x128xi32, #tpu.memory_space<hbm>>
        %dma_wait3A_92 = tpu.memref_squeeze %dma_wait3A_91 : memref<1x128xi32, #tpu.memory_space<hbm>> -> memref<128xi32, #tpu.memory_space<hbm>>
        tpu.wait_dma2 semaphore(%arg13 : memref<!tpu.dma_semaphore, #tpu.memory_space<semaphore_mem>>) src(%dma_wait3A_92 : memref<128xi32, #tpu.memory_space<hbm>>) dst(%arg7 : memref<128xi32, #tpu.memory_space<vmem>>)
        %dma_start3A = arith.constant 0 : i32
        %dma_start3A_93 = arith.constant 0 : i32
        %dma_start3A_94 = tpu.memref_slice %arg17[%dma_start3A, %dma_start3A_93] : memref<10240x128xf32, #tpu.memory_space<vmem_shared>> -> memref<10240x128xf32, #tpu.memory_space<vmem_shared>>
        tpu.enqueue_indirect_dma source(%arg9 : memref<128x128xf32, #tpu.memory_space<vmem>>) target(%dma_start3A_94 : memref<10240x128xf32, #tpu.memory_space<vmem_shared>>) offsets(%arg7 : memref<128xi32, #tpu.memory_space<vmem>>) semaphore(%arg15 : memref<!tpu.dma_semaphore, #tpu.memory_space<semaphore_mem>>) {add = true}
      } else {
      }
      %rem3A_63 = arith.constant 2 : i32
      %rem3A_64 = arith.remsi %while3A_55, %rem3A_63 : i32
      %eq3A_65 = arith.constant 1 : i32
      %eq3A_66 = arith.cmpi eq, %rem3A_64, %eq3A_65 : i32
      %convert_element_type3A_67 = arith.extui %eq3A_66 : i1 to i32
      %cond3A_68 = arith.constant 0 : i32
      %cond3A_69 = arith.cmpi ne, %convert_element_type3A_67, %cond3A_68 : i32
      scf.if %cond3A_69 {
        %mul3A_70 = arith.constant 128 : i32
        %mul3A_71 = arith.muli %while3A_55, %mul3A_70 : i32
        %dma_wait3A = tpu.memref_slice %arg6[%mul3A_71] : memref<10112xi32, #tpu.memory_space<vmem>> -> memref<128xi32, #tpu.memory_space<vmem>>
        %dma_wait3A_72 = arith.constant 0 : i32
        %dma_wait3A_73 = arith.constant 0 : i32
        %dma_wait3A_74 = tpu.memref_slice %arg2[%dma_wait3A_72, %dma_wait3A_73] : memref<10240x128xf32, #tpu.memory_space<hbm>> -> memref<10240x128xf32, #tpu.memory_space<hbm>>
        tpu.wait_indirect_dma semaphore(%arg12 : memref<!tpu.dma_semaphore, #tpu.memory_space<semaphore_mem>>) src(%dma_wait3A_74 : memref<10240x128xf32, #tpu.memory_space<hbm>>) dst(%arg10 : memref<128x128xf32, #tpu.memory_space<vmem>>)
        %ge3A = arith.constant 1 : i32
        %ge3A_75 = arith.cmpi sge, %while3A_55, %ge3A : i32
        %convert_element_type3A_76 = arith.extui %ge3A_75 : i1 to i32
        %cond3A_77 = arith.constant 0 : i32
        %cond3A_78 = arith.cmpi ne, %convert_element_type3A_76, %cond3A_77 : i32
        scf.if %cond3A_78 {
          %dma_wait3A_95 = arith.constant 0 : i32
          %dma_wait3A_96 = arith.constant 0 : i32
          %dma_wait3A_97 = tpu.memref_slice %arg17[%dma_wait3A_95, %dma_wait3A_96] : memref<10240x128xf32, #tpu.memory_space<vmem_shared>> -> memref<10240x128xf32, #tpu.memory_space<vmem_shared>>
          tpu.wait_indirect_dma semaphore(%arg15 : memref<!tpu.dma_semaphore, #tpu.memory_space<semaphore_mem>>) src(%arg9 : memref<128x128xf32, #tpu.memory_space<vmem>>) dst(%dma_wait3A_97 : memref<10240x128xf32, #tpu.memory_space<vmem_shared>>)
        } else {
        }
        %add3A_79 = arith.constant 1 : i32
        %add3A_80 = arith.addi %while3A_55, %add3A_79 : i32
        %lt3A_81 = arith.cmpi slt, %add3A_80, %add3A_7 : i32
        %convert_element_type3A_82 = arith.extui %lt3A_81 : i1 to i32
        %cond3A_83 = arith.constant 0 : i32
        %cond3A_84 = arith.cmpi ne, %convert_element_type3A_82, %cond3A_83 : i32
        scf.if %cond3A_84 {
          %add3A_95 = arith.constant 1 : i32
          %add3A_96 = arith.addi %while3A_55, %add3A_95 : i32
          %add3A_97 = arith.addi %add3A_4, %add3A_96 : i32
          %mul3A_98 = arith.constant 128 : i32
          %mul3A_99 = arith.muli %add3A_97, %mul3A_98 : i32
          %dma_start3A_100 = arith.constant 0 : i32
          %dma_start3A_101 = tpu.memref_slice %arg3[%dma_start3A_100, %mul3A_99] : memref<2x320000xi32, #tpu.memory_space<hbm>> -> memref<1x128xi32, #tpu.memory_space<hbm>>
          %dma_start3A_102 = tpu.memref_squeeze %dma_start3A_101 : memref<1x128xi32, #tpu.memory_space<hbm>> -> memref<128xi32, #tpu.memory_space<hbm>>
          %dma_start3A_103 = tpu.memref_slice %arg3[%dma_start3A_100, %mul3A_99] : memref<2x320000xi32, #tpu.memory_space<hbm>> -> memref<1x128xi32, #tpu.memory_space<hbm>>
          %dma_start3A_104 = tpu.memref_squeeze %dma_start3A_103 : memref<1x128xi32, #tpu.memory_space<hbm>> -> memref<128xi32, #tpu.memory_space<hbm>>
          tpu.enqueue_dma source(%dma_start3A_104 : memref<128xi32, #tpu.memory_space<hbm>>) target(%arg7 : memref<128xi32, #tpu.memory_space<vmem>>) target_semaphore(%arg13 : memref<!tpu.dma_semaphore, #tpu.memory_space<semaphore_mem>>)
          %add3A_105 = arith.constant 1 : i32
          %add3A_106 = arith.addi %while3A_55, %add3A_105 : i32
          %mul3A_107 = arith.constant 128 : i32
          %mul3A_108 = arith.muli %add3A_106, %mul3A_107 : i32
          %dma_start3A_109 = tpu.memref_slice %arg6[%mul3A_108] : memref<10112xi32, #tpu.memory_space<vmem>> -> memref<128xi32, #tpu.memory_space<vmem>>
          %dma_start3A_110 = arith.constant 0 : i32
          %dma_start3A_111 = arith.constant 0 : i32
          %dma_start3A_112 = tpu.memref_slice %arg2[%dma_start3A_110, %dma_start3A_111] : memref<10240x128xf32, #tpu.memory_space<hbm>> -> memref<10240x128xf32, #tpu.memory_space<hbm>>
          tpu.enqueue_indirect_dma source(%dma_start3A_112 : memref<10240x128xf32, #tpu.memory_space<hbm>>) target(%arg9 : memref<128x128xf32, #tpu.memory_space<vmem>>) offsets(%dma_start3A_109 : memref<128xi32, #tpu.memory_space<vmem>>) semaphore(%arg11 : memref<!tpu.dma_semaphore, #tpu.memory_space<semaphore_mem>>)
        } else {
        }
        %add3A_85 = arith.addi %add3A_4, %while3A_55 : i32
        %mul3A_86 = arith.constant 128 : i32
        %mul3A_87 = arith.muli %add3A_85, %mul3A_86 : i32
        %dma_wait3A_88 = arith.constant 0 : i32
        %dma_wait3A_89 = tpu.memref_slice %arg3[%dma_wait3A_88, %mul3A_87] : memref<2x320000xi32, #tpu.memory_space<hbm>> -> memref<1x128xi32, #tpu.memory_space<hbm>>
        %dma_wait3A_90 = tpu.memref_squeeze %dma_wait3A_89 : memref<1x128xi32, #tpu.memory_space<hbm>> -> memref<128xi32, #tpu.memory_space<hbm>>
        %dma_wait3A_91 = tpu.memref_slice %arg3[%dma_wait3A_88, %mul3A_87] : memref<2x320000xi32, #tpu.memory_space<hbm>> -> memref<1x128xi32, #tpu.memory_space<hbm>>
        %dma_wait3A_92 = tpu.memref_squeeze %dma_wait3A_91 : memref<1x128xi32, #tpu.memory_space<hbm>> -> memref<128xi32, #tpu.memory_space<hbm>>
        tpu.wait_dma2 semaphore(%arg14 : memref<!tpu.dma_semaphore, #tpu.memory_space<semaphore_mem>>) src(%dma_wait3A_92 : memref<128xi32, #tpu.memory_space<hbm>>) dst(%arg8 : memref<128xi32, #tpu.memory_space<vmem>>)
        %dma_start3A = arith.constant 0 : i32
        %dma_start3A_93 = arith.constant 0 : i32
        %dma_start3A_94 = tpu.memref_slice %arg17[%dma_start3A, %dma_start3A_93] : memref<10240x128xf32, #tpu.memory_space<vmem_shared>> -> memref<10240x128xf32, #tpu.memory_space<vmem_shared>>
        tpu.enqueue_indirect_dma source(%arg10 : memref<128x128xf32, #tpu.memory_space<vmem>>) target(%dma_start3A_94 : memref<10240x128xf32, #tpu.memory_space<vmem_shared>>) offsets(%arg8 : memref<128xi32, #tpu.memory_space<vmem>>) semaphore(%arg16 : memref<!tpu.dma_semaphore, #tpu.memory_space<semaphore_mem>>) {add = true}
      } else {
      }
    }
    %while3A_29 = arith.constant 1 : i32
    scf.for %while3A_55 = %while3A_27 to %while3A_23 step %while3A_29  : i32 {
      %rem3A_56 = arith.constant 2 : i32
      %rem3A_57 = arith.remsi %while3A_55, %rem3A_56 : i32
      %eq3A_58 = arith.constant 0 : i32
      %eq3A_59 = arith.cmpi eq, %rem3A_57, %eq3A_58 : i32
      %convert_element_type3A_60 = arith.extui %eq3A_59 : i1 to i32
      %cond3A_61 = arith.constant 0 : i32
      %cond3A_62 = arith.cmpi ne, %convert_element_type3A_60, %cond3A_61 : i32
      scf.if %cond3A_62 {
        %mul3A_70 = arith.constant 128 : i32
        %mul3A_71 = arith.muli %while3A_55, %mul3A_70 : i32
        %dma_wait3A = tpu.memref_slice %arg6[%mul3A_71] : memref<10112xi32, #tpu.memory_space<vmem>> -> memref<128xi32, #tpu.memory_space<vmem>>
        %dma_wait3A_72 = arith.constant 0 : i32
        %dma_wait3A_73 = arith.constant 0 : i32
        %dma_wait3A_74 = tpu.memref_slice %arg2[%dma_wait3A_72, %dma_wait3A_73] : memref<10240x128xf32, #tpu.memory_space<hbm>> -> memref<10240x128xf32, #tpu.memory_space<hbm>>
        tpu.wait_indirect_dma semaphore(%arg11 : memref<!tpu.dma_semaphore, #tpu.memory_space<semaphore_mem>>) src(%dma_wait3A_74 : memref<10240x128xf32, #tpu.memory_space<hbm>>) dst(%arg9 : memref<128x128xf32, #tpu.memory_space<vmem>>)
        %ge3A = arith.constant 1 : i32
        %ge3A_75 = arith.cmpi sge, %while3A_55, %ge3A : i32
        %convert_element_type3A_76 = arith.extui %ge3A_75 : i1 to i32
        %cond3A_77 = arith.constant 0 : i32
        %cond3A_78 = arith.cmpi ne, %convert_element_type3A_76, %cond3A_77 : i32
        scf.if %cond3A_78 {
          %dma_wait3A_95 = arith.constant 0 : i32
          %dma_wait3A_96 = arith.constant 0 : i32
          %dma_wait3A_97 = tpu.memref_slice %arg17[%dma_wait3A_95, %dma_wait3A_96] : memref<10240x128xf32, #tpu.memory_space<vmem_shared>> -> memref<10240x128xf32, #tpu.memory_space<vmem_shared>>
          tpu.wait_indirect_dma semaphore(%arg16 : memref<!tpu.dma_semaphore, #tpu.memory_space<semaphore_mem>>) src(%arg10 : memref<128x128xf32, #tpu.memory_space<vmem>>) dst(%dma_wait3A_97 : memref<10240x128xf32, #tpu.memory_space<vmem_shared>>)
        } else {
        }
        %add3A_79 = arith.constant 1 : i32
        %add3A_80 = arith.addi %while3A_55, %add3A_79 : i32
        %lt3A_81 = arith.cmpi slt, %add3A_80, %add3A_7 : i32
        %convert_element_type3A_82 = arith.extui %lt3A_81 : i1 to i32
        %cond3A_83 = arith.constant 0 : i32
        %cond3A_84 = arith.cmpi ne, %convert_element_type3A_82, %cond3A_83 : i32
        scf.if %cond3A_84 {
          %add3A_95 = arith.constant 1 : i32
          %add3A_96 = arith.addi %while3A_55, %add3A_95 : i32
          %add3A_97 = arith.addi %add3A_4, %add3A_96 : i32
          %mul3A_98 = arith.constant 128 : i32
          %mul3A_99 = arith.muli %add3A_97, %mul3A_98 : i32
          %dma_start3A_100 = arith.constant 0 : i32
          %dma_start3A_101 = tpu.memref_slice %arg3[%dma_start3A_100, %mul3A_99] : memref<2x320000xi32, #tpu.memory_space<hbm>> -> memref<1x128xi32, #tpu.memory_space<hbm>>
          %dma_start3A_102 = tpu.memref_squeeze %dma_start3A_101 : memref<1x128xi32, #tpu.memory_space<hbm>> -> memref<128xi32, #tpu.memory_space<hbm>>
          %dma_start3A_103 = tpu.memref_slice %arg3[%dma_start3A_100, %mul3A_99] : memref<2x320000xi32, #tpu.memory_space<hbm>> -> memref<1x128xi32, #tpu.memory_space<hbm>>
          %dma_start3A_104 = tpu.memref_squeeze %dma_start3A_103 : memref<1x128xi32, #tpu.memory_space<hbm>> -> memref<128xi32, #tpu.memory_space<hbm>>
          tpu.enqueue_dma source(%dma_start3A_104 : memref<128xi32, #tpu.memory_space<hbm>>) target(%arg8 : memref<128xi32, #tpu.memory_space<vmem>>) target_semaphore(%arg14 : memref<!tpu.dma_semaphore, #tpu.memory_space<semaphore_mem>>)
          %add3A_105 = arith.constant 1 : i32
          %add3A_106 = arith.addi %while3A_55, %add3A_105 : i32
          %mul3A_107 = arith.constant 128 : i32
          %mul3A_108 = arith.muli %add3A_106, %mul3A_107 : i32
          %dma_start3A_109 = tpu.memref_slice %arg6[%mul3A_108] : memref<10112xi32, #tpu.memory_space<vmem>> -> memref<128xi32, #tpu.memory_space<vmem>>
          %dma_start3A_110 = arith.constant 0 : i32
          %dma_start3A_111 = arith.constant 0 : i32
          %dma_start3A_112 = tpu.memref_slice %arg2[%dma_start3A_110, %dma_start3A_111] : memref<10240x128xf32, #tpu.memory_space<hbm>> -> memref<10240x128xf32, #tpu.memory_space<hbm>>
          tpu.enqueue_indirect_dma source(%dma_start3A_112 : memref<10240x128xf32, #tpu.memory_space<hbm>>) target(%arg10 : memref<128x128xf32, #tpu.memory_space<vmem>>) offsets(%dma_start3A_109 : memref<128xi32, #tpu.memory_space<vmem>>) semaphore(%arg12 : memref<!tpu.dma_semaphore, #tpu.memory_space<semaphore_mem>>)
        } else {
        }
        %add3A_85 = arith.addi %add3A_4, %while3A_55 : i32
        %mul3A_86 = arith.constant 128 : i32
        %mul3A_87 = arith.muli %add3A_85, %mul3A_86 : i32
        %dma_wait3A_88 = arith.constant 0 : i32
        %dma_wait3A_89 = tpu.memref_slice %arg3[%dma_wait3A_88, %mul3A_87] : memref<2x320000xi32, #tpu.memory_space<hbm>> -> memref<1x128xi32, #tpu.memory_space<hbm>>
        %dma_wait3A_90 = tpu.memref_squeeze %dma_wait3A_89 : memref<1x128xi32, #tpu.memory_space<hbm>> -> memref<128xi32, #tpu.memory_space<hbm>>
        %dma_wait3A_91 = tpu.memref_slice %arg3[%dma_wait3A_88, %mul3A_87] : memref<2x320000xi32, #tpu.memory_space<hbm>> -> memref<1x128xi32, #tpu.memory_space<hbm>>
        %dma_wait3A_92 = tpu.memref_squeeze %dma_wait3A_91 : memref<1x128xi32, #tpu.memory_space<hbm>> -> memref<128xi32, #tpu.memory_space<hbm>>
        tpu.wait_dma2 semaphore(%arg13 : memref<!tpu.dma_semaphore, #tpu.memory_space<semaphore_mem>>) src(%dma_wait3A_92 : memref<128xi32, #tpu.memory_space<hbm>>) dst(%arg7 : memref<128xi32, #tpu.memory_space<vmem>>)
        %dma_start3A = arith.constant 0 : i32
        %dma_start3A_93 = arith.constant 0 : i32
        %dma_start3A_94 = tpu.memref_slice %arg17[%dma_start3A, %dma_start3A_93] : memref<10240x128xf32, #tpu.memory_space<vmem_shared>> -> memref<10240x128xf32, #tpu.memory_space<vmem_shared>>
        tpu.enqueue_indirect_dma source(%arg9 : memref<128x128xf32, #tpu.memory_space<vmem>>) target(%dma_start3A_94 : memref<10240x128xf32, #tpu.memory_space<vmem_shared>>) offsets(%arg7 : memref<128xi32, #tpu.memory_space<vmem>>) semaphore(%arg15 : memref<!tpu.dma_semaphore, #tpu.memory_space<semaphore_mem>>) {add = true}
      } else {
      }
      %rem3A_63 = arith.constant 2 : i32
      %rem3A_64 = arith.remsi %while3A_55, %rem3A_63 : i32
      %eq3A_65 = arith.constant 1 : i32
      %eq3A_66 = arith.cmpi eq, %rem3A_64, %eq3A_65 : i32
      %convert_element_type3A_67 = arith.extui %eq3A_66 : i1 to i32
      %cond3A_68 = arith.constant 0 : i32
      %cond3A_69 = arith.cmpi ne, %convert_element_type3A_67, %cond3A_68 : i32
      scf.if %cond3A_69 {
        %mul3A_70 = arith.constant 128 : i32
        %mul3A_71 = arith.muli %while3A_55, %mul3A_70 : i32
        %dma_wait3A = tpu.memref_slice %arg6[%mul3A_71] : memref<10112xi32, #tpu.memory_space<vmem>> -> memref<128xi32, #tpu.memory_space<vmem>>
        %dma_wait3A_72 = arith.constant 0 : i32
        %dma_wait3A_73 = arith.constant 0 : i32
        %dma_wait3A_74 = tpu.memref_slice %arg2[%dma_wait3A_72, %dma_wait3A_73] : memref<10240x128xf32, #tpu.memory_space<hbm>> -> memref<10240x128xf32, #tpu.memory_space<hbm>>
        tpu.wait_indirect_dma semaphore(%arg12 : memref<!tpu.dma_semaphore, #tpu.memory_space<semaphore_mem>>) src(%dma_wait3A_74 : memref<10240x128xf32, #tpu.memory_space<hbm>>) dst(%arg10 : memref<128x128xf32, #tpu.memory_space<vmem>>)
        %ge3A = arith.constant 1 : i32
        %ge3A_75 = arith.cmpi sge, %while3A_55, %ge3A : i32
        %convert_element_type3A_76 = arith.extui %ge3A_75 : i1 to i32
        %cond3A_77 = arith.constant 0 : i32
        %cond3A_78 = arith.cmpi ne, %convert_element_type3A_76, %cond3A_77 : i32
        scf.if %cond3A_78 {
          %dma_wait3A_95 = arith.constant 0 : i32
          %dma_wait3A_96 = arith.constant 0 : i32
          %dma_wait3A_97 = tpu.memref_slice %arg17[%dma_wait3A_95, %dma_wait3A_96] : memref<10240x128xf32, #tpu.memory_space<vmem_shared>> -> memref<10240x128xf32, #tpu.memory_space<vmem_shared>>
          tpu.wait_indirect_dma semaphore(%arg15 : memref<!tpu.dma_semaphore, #tpu.memory_space<semaphore_mem>>) src(%arg9 : memref<128x128xf32, #tpu.memory_space<vmem>>) dst(%dma_wait3A_97 : memref<10240x128xf32, #tpu.memory_space<vmem_shared>>)
        } else {
        }
        %add3A_79 = arith.constant 1 : i32
        %add3A_80 = arith.addi %while3A_55, %add3A_79 : i32
        %lt3A_81 = arith.cmpi slt, %add3A_80, %add3A_7 : i32
        %convert_element_type3A_82 = arith.extui %lt3A_81 : i1 to i32
        %cond3A_83 = arith.constant 0 : i32
        %cond3A_84 = arith.cmpi ne, %convert_element_type3A_82, %cond3A_83 : i32
        scf.if %cond3A_84 {
          %add3A_95 = arith.constant 1 : i32
          %add3A_96 = arith.addi %while3A_55, %add3A_95 : i32
          %add3A_97 = arith.addi %add3A_4, %add3A_96 : i32
          %mul3A_98 = arith.constant 128 : i32
          %mul3A_99 = arith.muli %add3A_97, %mul3A_98 : i32
          %dma_start3A_100 = arith.constant 0 : i32
          %dma_start3A_101 = tpu.memref_slice %arg3[%dma_start3A_100, %mul3A_99] : memref<2x320000xi32, #tpu.memory_space<hbm>> -> memref<1x128xi32, #tpu.memory_space<hbm>>
          %dma_start3A_102 = tpu.memref_squeeze %dma_start3A_101 : memref<1x128xi32, #tpu.memory_space<hbm>> -> memref<128xi32, #tpu.memory_space<hbm>>
          %dma_start3A_103 = tpu.memref_slice %arg3[%dma_start3A_100, %mul3A_99] : memref<2x320000xi32, #tpu.memory_space<hbm>> -> memref<1x128xi32, #tpu.memory_space<hbm>>
          %dma_start3A_104 = tpu.memref_squeeze %dma_start3A_103 : memref<1x128xi32, #tpu.memory_space<hbm>> -> memref<128xi32, #tpu.memory_space<hbm>>
          tpu.enqueue_dma source(%dma_start3A_104 : memref<128xi32, #tpu.memory_space<hbm>>) target(%arg7 : memref<128xi32, #tpu.memory_space<vmem>>) target_semaphore(%arg13 : memref<!tpu.dma_semaphore, #tpu.memory_space<semaphore_mem>>)
          %add3A_105 = arith.constant 1 : i32
          %add3A_106 = arith.addi %while3A_55, %add3A_105 : i32
          %mul3A_107 = arith.constant 128 : i32
          %mul3A_108 = arith.muli %add3A_106, %mul3A_107 : i32
          %dma_start3A_109 = tpu.memref_slice %arg6[%mul3A_108] : memref<10112xi32, #tpu.memory_space<vmem>> -> memref<128xi32, #tpu.memory_space<vmem>>
          %dma_start3A_110 = arith.constant 0 : i32
          %dma_start3A_111 = arith.constant 0 : i32
          %dma_start3A_112 = tpu.memref_slice %arg2[%dma_start3A_110, %dma_start3A_111] : memref<10240x128xf32, #tpu.memory_space<hbm>> -> memref<10240x128xf32, #tpu.memory_space<hbm>>
          tpu.enqueue_indirect_dma source(%dma_start3A_112 : memref<10240x128xf32, #tpu.memory_space<hbm>>) target(%arg9 : memref<128x128xf32, #tpu.memory_space<vmem>>) offsets(%dma_start3A_109 : memref<128xi32, #tpu.memory_space<vmem>>) semaphore(%arg11 : memref<!tpu.dma_semaphore, #tpu.memory_space<semaphore_mem>>)
        } else {
        }
        %add3A_85 = arith.addi %add3A_4, %while3A_55 : i32
        %mul3A_86 = arith.constant 128 : i32
        %mul3A_87 = arith.muli %add3A_85, %mul3A_86 : i32
        %dma_wait3A_88 = arith.constant 0 : i32
        %dma_wait3A_89 = tpu.memref_slice %arg3[%dma_wait3A_88, %mul3A_87] : memref<2x320000xi32, #tpu.memory_space<hbm>> -> memref<1x128xi32, #tpu.memory_space<hbm>>
        %dma_wait3A_90 = tpu.memref_squeeze %dma_wait3A_89 : memref<1x128xi32, #tpu.memory_space<hbm>> -> memref<128xi32, #tpu.memory_space<hbm>>
        %dma_wait3A_91 = tpu.memref_slice %arg3[%dma_wait3A_88, %mul3A_87] : memref<2x320000xi32, #tpu.memory_space<hbm>> -> memref<1x128xi32, #tpu.memory_space<hbm>>
        %dma_wait3A_92 = tpu.memref_squeeze %dma_wait3A_91 : memref<1x128xi32, #tpu.memory_space<hbm>> -> memref<128xi32, #tpu.memory_space<hbm>>
        tpu.wait_dma2 semaphore(%arg14 : memref<!tpu.dma_semaphore, #tpu.memory_space<semaphore_mem>>) src(%dma_wait3A_92 : memref<128xi32, #tpu.memory_space<hbm>>) dst(%arg8 : memref<128xi32, #tpu.memory_space<vmem>>)
        %dma_start3A = arith.constant 0 : i32
        %dma_start3A_93 = arith.constant 0 : i32
        %dma_start3A_94 = tpu.memref_slice %arg17[%dma_start3A, %dma_start3A_93] : memref<10240x128xf32, #tpu.memory_space<vmem_shared>> -> memref<10240x128xf32, #tpu.memory_space<vmem_shared>>
        tpu.enqueue_indirect_dma source(%arg10 : memref<128x128xf32, #tpu.memory_space<vmem>>) target(%dma_start3A_94 : memref<10240x128xf32, #tpu.memory_space<vmem_shared>>) offsets(%arg8 : memref<128xi32, #tpu.memory_space<vmem>>) semaphore(%arg16 : memref<!tpu.dma_semaphore, #tpu.memory_space<semaphore_mem>>) {add = true}
      } else {
      }
    }
    %gt3A_30 = arith.constant 0 : i32
    %gt3A_31 = arith.cmpi sgt, %add3A_7, %gt3A_30 : i32
    %sub3A = arith.constant 1 : i32
    %sub3A_32 = arith.subi %add3A_7, %sub3A : i32
    %rem3A = arith.constant 2 : i32
    %rem3A_33 = arith.remsi %sub3A_32, %rem3A : i32
    %eq3A = arith.constant 0 : i32
    %eq3A_34 = arith.cmpi eq, %rem3A_33, %eq3A : i32
    %and3A = arith.andi %gt3A_31, %eq3A_34 : i1
    %convert_element_type3A_35 = arith.extui %and3A : i1 to i32
    %cond3A_36 = arith.constant 0 : i32
    %cond3A_37 = arith.cmpi ne, %convert_element_type3A_35, %cond3A_36 : i32
    scf.if %cond3A_37 {
      %dma_wait3A = arith.constant 0 : i32
      %dma_wait3A_55 = arith.constant 0 : i32
      %dma_wait3A_56 = tpu.memref_slice %arg17[%dma_wait3A, %dma_wait3A_55] : memref<10240x128xf32, #tpu.memory_space<vmem_shared>> -> memref<10240x128xf32, #tpu.memory_space<vmem_shared>>
      tpu.wait_indirect_dma semaphore(%arg15 : memref<!tpu.dma_semaphore, #tpu.memory_space<semaphore_mem>>) src(%arg9 : memref<128x128xf32, #tpu.memory_space<vmem>>) dst(%dma_wait3A_56 : memref<10240x128xf32, #tpu.memory_space<vmem_shared>>)
    } else {
    }
    %gt3A_38 = arith.constant 0 : i32
    %gt3A_39 = arith.cmpi sgt, %add3A_7, %gt3A_38 : i32
    %sub3A_40 = arith.constant 1 : i32
    %sub3A_41 = arith.subi %add3A_7, %sub3A_40 : i32
    %rem3A_42 = arith.constant 2 : i32
    %rem3A_43 = arith.remsi %sub3A_41, %rem3A_42 : i32
    %eq3A_44 = arith.constant 1 : i32
    %eq3A_45 = arith.cmpi eq, %rem3A_43, %eq3A_44 : i32
    %and3A_46 = arith.andi %gt3A_39, %eq3A_45 : i1
    %convert_element_type3A_47 = arith.extui %and3A_46 : i1 to i32
    %cond3A_48 = arith.constant 0 : i32
    %cond3A_49 = arith.cmpi ne, %convert_element_type3A_47, %cond3A_48 : i32
    scf.if %cond3A_49 {
      %dma_wait3A = arith.constant 0 : i32
      %dma_wait3A_55 = arith.constant 0 : i32
      %dma_wait3A_56 = tpu.memref_slice %arg17[%dma_wait3A, %dma_wait3A_55] : memref<10240x128xf32, #tpu.memory_space<vmem_shared>> -> memref<10240x128xf32, #tpu.memory_space<vmem_shared>>
      tpu.wait_indirect_dma semaphore(%arg16 : memref<!tpu.dma_semaphore, #tpu.memory_space<semaphore_mem>>) src(%arg10 : memref<128x128xf32, #tpu.memory_space<vmem>>) dst(%dma_wait3A_56 : memref<10240x128xf32, #tpu.memory_space<vmem_shared>>)
    } else {
    }
    %barrier3A_50 = arith.constant 0 : index
    tpu.barrier barrier_id(%barrier3A_50)
    %mul3A_51 = arith.constant 640 : i32
    %mul3A_52 = arith.muli %arg1, %mul3A_51 : i32
    %mul3A_53 = arith.constant 640 : i32
    %mul3A_54 = arith.muli %arg1, %mul3A_53 : i32
    "tpu.region"() ({
      %run_scoped3A_55 = tpu.sem_alloc : memref<!tpu.dma_semaphore, #tpu.memory_space<semaphore_mem>>
      %dma_start3A = arith.constant 0 : i32
      %dma_start3A_56 = tpu.memref_slice %arg5[%arg0, %mul3A_54, %dma_start3A] : memref<2x10240x128xf32, #tpu.memory_space<hbm>> -> memref<1x640x128xf32, #tpu.memory_space<hbm>>
      %dma_start3A_57 = tpu.memref_squeeze %dma_start3A_56 : memref<1x640x128xf32, #tpu.memory_space<hbm>> -> memref<640x128xf32, #tpu.memory_space<hbm>>
      %dma_start3A_58 = arith.constant 0 : i32
      %dma_start3A_59 = tpu.memref_slice %arg17[%mul3A_52, %dma_start3A_58] : memref<10240x128xf32, #tpu.memory_space<vmem_shared>> -> memref<640x128xf32, #tpu.memory_space<vmem_shared>>
      tpu.enqueue_dma source(%dma_start3A_59 : memref<640x128xf32, #tpu.memory_space<vmem_shared>>) target(%dma_start3A_57 : memref<640x128xf32, #tpu.memory_space<hbm>>) target_semaphore(%run_scoped3A_55 : memref<!tpu.dma_semaphore, #tpu.memory_space<semaphore_mem>>)
      %dma_wait3A = arith.constant 0 : i32
      %dma_wait3A_60 = tpu.memref_slice %arg5[%arg0, %mul3A_54, %dma_wait3A] : memref<2x10240x128xf32, #tpu.memory_space<hbm>> -> memref<1x640x128xf32, #tpu.memory_space<hbm>>
      %dma_wait3A_61 = tpu.memref_squeeze %dma_wait3A_60 : memref<1x640x128xf32, #tpu.memory_space<hbm>> -> memref<640x128xf32, #tpu.memory_space<hbm>>
      %dma_wait3A_62 = arith.constant 0 : i32
      %dma_wait3A_63 = tpu.memref_slice %arg17[%mul3A_52, %dma_wait3A_62] : memref<10240x128xf32, #tpu.memory_space<vmem_shared>> -> memref<640x128xf32, #tpu.memory_space<vmem_shared>>
      tpu.wait_dma2 semaphore(%run_scoped3A_55 : memref<!tpu.dma_semaphore, #tpu.memory_space<semaphore_mem>>) src(%dma_wait3A_63 : memref<640x128xf32, #tpu.memory_space<vmem_shared>>) dst(%dma_wait3A_61 : memref<640x128xf32, #tpu.memory_space<hbm>>)
      tpu.yield
    }) : () -> ()
    return
  }
}

module attributes {stable_mosaic.version = 14 : i64} {
  func.func @_tc_prep(%arg0: memref<10240x1xf32, #tpu.memory_space<vmem>>, %arg1: memref<10000x128xf32, #tpu.memory_space<vmem>>, %arg2: memref<10240x128xf32, #tpu.memory_space<vmem>>) attributes {dimension_semantics = [], scalar_prefetch = 0 : i64, scratch_operands = 0 : i64, tpu.core_type = #tpu.core_type<tc>} {
    %get3A = arith.constant 0 : index
    %get3A_0 = arith.constant 0 : index
    %get3A_1 = vector.load %arg0[%get3A, %get3A_0] : memref<10240x1xf32, #tpu.memory_space<vmem>>, vector<10000x1xf32>
    %get3A_2 = arith.constant 0 : index
    %get3A_3 = arith.constant 0 : index
    %get3A_4 = vector.load %arg1[%get3A_2, %get3A_3] : memref<10000x128xf32, #tpu.memory_space<vmem>>, vector<10000x128xf32>
    %mul3A = vector.broadcast %get3A_1 : vector<10000x1xf32> to vector<10000x128xf32>
    %mul3A_5 = arith.mulf %mul3A, %get3A_4 : vector<10000x128xf32>
    %swap3A = arith.constant 0 : index
    %swap3A_6 = arith.constant 0 : index
    %swap3A_7 = vector.load %arg2[%swap3A, %swap3A_6] : memref<10240x128xf32, #tpu.memory_space<vmem>>, vector<10000x128xf32>
    tpu.vector_store %arg2[%swap3A, %swap3A_6], %mul3A_5 {strides = array<i32>} : memref<10240x128xf32, #tpu.memory_space<vmem>>, vector<10000x128xf32>,
    %broadcast_in_dim3A = arith.constant 0.000000e+00 : f32
    %broadcast_in_dim3A_8 = vector.broadcast %broadcast_in_dim3A : f32 to vector<240x128xf32>
    %swap3A_9 = arith.constant 10000 : index
    %swap3A_10 = arith.constant 0 : index
    %swap3A_11 = vector.load %arg2[%swap3A_9, %swap3A_10] : memref<10240x128xf32, #tpu.memory_space<vmem>>, vector<240x128xf32>
    tpu.vector_store %arg2[%swap3A_9, %swap3A_10], %broadcast_in_dim3A_8 {strides = array<i32>} : memref<10240x128xf32, #tpu.memory_space<vmem>>, vector<240x128xf32>,
    return
  }
}

module attributes {stable_mosaic.version = 14 : i64} {
  func.func @_tc_mid(%arg0: memref<2x10240x128xf32, #tpu.memory_space<vmem>>, %arg1: memref<10240x128xf32, #tpu.memory_space<vmem>>, %arg2: memref<10240x1xf32, #tpu.memory_space<vmem>>, %arg3: memref<10240x128xf32, #tpu.memory_space<vmem>>, %arg4: memref<10240x128xf32, #tpu.memory_space<vmem>>) attributes {dimension_semantics = [], scalar_prefetch = 0 : i64, scratch_operands = 0 : i64, tpu.core_type = #tpu.core_type<tc>} {
    %get3A = arith.constant 0 : index
    %get3A_0 = arith.constant 0 : index
    %get3A_1 = arith.constant 0 : index
    %get3A_2 = vector.load %arg0[%get3A, %get3A_0, %get3A_1] : memref<2x10240x128xf32, #tpu.memory_space<vmem>>, vector<1x10240x128xf32>
    %get3A_3 = vector.shape_cast %get3A_2 : vector<1x10240x128xf32> to vector<10240x128xf32>
    %get3A_4 = arith.constant 1 : index
    %get3A_5 = arith.constant 0 : index
    %get3A_6 = arith.constant 0 : index
    %get3A_7 = vector.load %arg0[%get3A_4, %get3A_5, %get3A_6] : memref<2x10240x128xf32, #tpu.memory_space<vmem>>, vector<1x10240x128xf32>
    %get3A_8 = vector.shape_cast %get3A_7 : vector<1x10240x128xf32> to vector<10240x128xf32>
    %add3A = arith.addf %get3A_3, %get3A_8 : vector<10240x128xf32>
    %get3A_9 = arith.constant 0 : index
    %get3A_10 = arith.constant 0 : index
    %get3A_11 = vector.load %arg1[%get3A_9, %get3A_10] : memref<10240x128xf32, #tpu.memory_space<vmem>>, vector<10240x128xf32>
    %add3A_12 = arith.addf %add3A, %get3A_11 : vector<10240x128xf32>
    %get3A_13 = arith.constant 0 : index
    %get3A_14 = arith.constant 0 : index
    %get3A_15 = vector.load %arg2[%get3A_13, %get3A_14] : memref<10240x1xf32, #tpu.memory_space<vmem>>, vector<10240x1xf32>
    %mul3A = vector.broadcast %get3A_15 : vector<10240x1xf32> to vector<10240x128xf32>
    %mul3A_16 = arith.mulf %mul3A, %add3A_12 : vector<10240x128xf32>
    %swap3A = arith.constant 0 : index
    %swap3A_17 = arith.constant 0 : index
    %swap3A_18 = vector.load %arg3[%swap3A, %swap3A_17] : memref<10240x128xf32, #tpu.memory_space<vmem>>, vector<10240x128xf32>
    tpu.vector_store %arg3[%swap3A, %swap3A_17], %mul3A_16 {strides = array<i32>} : memref<10240x128xf32, #tpu.memory_space<vmem>>, vector<10240x128xf32>,
    %mul3A_19 = vector.broadcast %get3A_15 : vector<10240x1xf32> to vector<10240x128xf32>
    %mul3A_20 = arith.mulf %mul3A_19, %mul3A_16 : vector<10240x128xf32>
    %swap3A_21 = arith.constant 0 : index
    %swap3A_22 = arith.constant 0 : index
    %swap3A_23 = vector.load %arg4[%swap3A_21, %swap3A_22] : memref<10240x128xf32, #tpu.memory_space<vmem>>, vector<10240x128xf32>
    tpu.vector_store %arg4[%swap3A_21, %swap3A_22], %mul3A_20 {strides = array<i32>} : memref<10240x128xf32, #tpu.memory_space<vmem>>, vector<10240x128xf32>,
    return
  }
}

module attributes {stable_mosaic.version = 14 : i64} {
  func.func @_tc_final(%arg0: memref<1x1xf32, #tpu.memory_space<vmem>>, %arg1: memref<10000x128xf32, #tpu.memory_space<vmem>>, %arg2: memref<10240x128xf32, #tpu.memory_space<vmem>>, %arg3: memref<2x10240x128xf32, #tpu.memory_space<vmem>>, %arg4: memref<10240x128xf32, #tpu.memory_space<vmem>>, %arg5: memref<10240x1xf32, #tpu.memory_space<vmem>>, %arg6: memref<10000x1xf32, #tpu.memory_space<vmem>>, %arg7: memref<10000x128xf32, #tpu.memory_space<vmem>>, %arg8: memref<10000x128xf32, #tpu.memory_space<vmem>>) attributes {dimension_semantics = [], scalar_prefetch = 0 : i64, scratch_operands = 0 : i64, tpu.core_type = #tpu.core_type<tc>} {
    %get3A = arith.constant 0 : index
    %get3A_0 = arith.constant 0 : index
    %get3A_1 = vector.load %arg0[%get3A, %get3A_0] : memref<1x1xf32, #tpu.memory_space<vmem>>, vector<1x1xf32>
    %get3A_2 = vector.extract %get3A_1[0, 0] : f32 from vector<1x1xf32>
    %get3A_3 = arith.constant 0 : index
    %get3A_4 = arith.constant 0 : index
    %get3A_5 = vector.load %arg5[%get3A_3, %get3A_4] : memref<10240x1xf32, #tpu.memory_space<vmem>>, vector<10000x1xf32>
    %get3A_6 = arith.constant 0 : index
    %get3A_7 = arith.constant 0 : index
    %get3A_8 = arith.constant 0 : index
    %get3A_9 = vector.load %arg3[%get3A_6, %get3A_7, %get3A_8] : memref<2x10240x128xf32, #tpu.memory_space<vmem>>, vector<1x10000x128xf32>
    %get3A_10 = vector.shape_cast %get3A_9 : vector<1x10000x128xf32> to vector<10000x128xf32>
    %get3A_11 = arith.constant 1 : index
    %get3A_12 = arith.constant 0 : index
    %get3A_13 = arith.constant 0 : index
    %get3A_14 = vector.load %arg3[%get3A_11, %get3A_12, %get3A_13] : memref<2x10240x128xf32, #tpu.memory_space<vmem>>, vector<1x10000x128xf32>
    %get3A_15 = vector.shape_cast %get3A_14 : vector<1x10000x128xf32> to vector<10000x128xf32>
    %add3A = arith.addf %get3A_10, %get3A_15 : vector<10000x128xf32>
    %get3A_16 = arith.constant 0 : index
    %get3A_17 = arith.constant 0 : index
    %get3A_18 = vector.load %arg4[%get3A_16, %get3A_17] : memref<10240x128xf32, #tpu.memory_space<vmem>>, vector<10000x128xf32>
    %add3A_19 = arith.addf %add3A, %get3A_18 : vector<10000x128xf32>
    %mul3A = vector.broadcast %get3A_5 : vector<10000x1xf32> to vector<10000x128xf32>
    %mul3A_20 = arith.mulf %mul3A, %add3A_19 : vector<10000x128xf32>
    %get3A_21 = arith.constant 0 : index
    %get3A_22 = arith.constant 0 : index
    %get3A_23 = vector.load %arg1[%get3A_21, %get3A_22] : memref<10000x128xf32, #tpu.memory_space<vmem>>, vector<10000x128xf32>
    %mul3A_24 = arith.constant 5.000000e-01 : f32
    %mul3A_25 = arith.mulf %mul3A_24, %get3A_2 : f32
    %mul3A_26 = arith.mulf %mul3A_25, %get3A_2 : f32
    %mul3A_27 = vector.broadcast %mul3A_26 : f32 to vector<10000x128xf32>
    %mul3A_28 = arith.mulf %mul3A_27, %mul3A_20 : vector<10000x128xf32>
    %sub3A = arith.subf %get3A_23, %mul3A_28 : vector<10000x128xf32>
    %get3A_29 = arith.constant 0 : index
    %get3A_30 = arith.constant 0 : index
    %get3A_31 = vector.load %arg2[%get3A_29, %get3A_30] : memref<10240x128xf32, #tpu.memory_space<vmem>>, vector<10000x128xf32>
    %mul3A_32 = vector.broadcast %get3A_2 : f32 to vector<10000x128xf32>
    %mul3A_33 = arith.mulf %mul3A_32, %get3A_31 : vector<10000x128xf32>
    %mul3A_34 = arith.mulf %sub3A, %sub3A : vector<10000x128xf32>
    %mul3A_35 = arith.mulf %mul3A_33, %mul3A_33 : vector<10000x128xf32>
    %add3A_36 = arith.addf %mul3A_34, %mul3A_35 : vector<10000x128xf32>
    %reduce_sum3A = arith.constant dense<0.000000e+00> : vector<10000xf32>
    %reduce_sum3A_37 = vector.multi_reduction <add>, %add3A_36, %reduce_sum3A [1] : vector<10000x128xf32> to vector<10000xf32>
    %broadcast_in_dim3A = vector.shape_cast %reduce_sum3A_37 : vector<10000xf32> to vector<10000x1xf32>
    %reduce_sum3A_38 = vector.shape_cast %broadcast_in_dim3A : vector<10000x1xf32> to vector<1x10000x1xf32>
    %reduce_sum3A_39 = arith.constant dense<0.000000e+00> : vector<1xf32>
    %reduce_sum3A_40 = vector.multi_reduction <add>, %reduce_sum3A_38, %reduce_sum3A_39 [1, 2] : vector<1x10000x1xf32> to vector<1xf32>
    %reduce_sum3A_41 = vector.shape_cast %reduce_sum3A_40 : vector<1xf32> to vector<1x1x1xf32>
    %reduce_sum3A_42 = vector.extract %reduce_sum3A_41[0, 0, 0] : f32 from vector<1x1x1xf32>
    %gt3A = arith.constant 9.99999993E-9 : f32
    %gt3A_43 = arith.cmpf ogt, %reduce_sum3A_42, %gt3A : f32
    %div3A = arith.constant 1.000000e+04 : f32
    %div3A_44 = arith.divf %div3A, %reduce_sum3A_42 : f32
    %mul3A_45 = vector.broadcast %div3A_44 : f32 to vector<10000x1xf32>
    %mul3A_46 = arith.mulf %broadcast_in_dim3A, %mul3A_45 : vector<10000x1xf32>
    %broadcast_in_dim3A_47 = arith.constant 1.000000e+00 : f32
    %broadcast_in_dim3A_48 = vector.broadcast %broadcast_in_dim3A_47 : f32 to vector<10000x1xf32>
    %select_n3A = arith.select %gt3A_43, %mul3A_46, %broadcast_in_dim3A_48 : vector<10000x1xf32>
    %swap3A = arith.constant 0 : index
    %swap3A_49 = arith.constant 0 : index
    %swap3A_50 = vector.load %arg6[%swap3A, %swap3A_49] : memref<10000x1xf32, #tpu.memory_space<vmem>>, vector<10000x1xf32>
    tpu.vector_store %arg6[%swap3A, %swap3A_49], %select_n3A {strides = array<i32>} : memref<10000x1xf32, #tpu.memory_space<vmem>>, vector<10000x1xf32>,
    %swap3A_51 = arith.constant 0 : index
    %swap3A_52 = arith.constant 0 : index
    %swap3A_53 = vector.load %arg7[%swap3A_51, %swap3A_52] : memref<10000x128xf32, #tpu.memory_space<vmem>>, vector<10000x128xf32>
    tpu.vector_store %arg7[%swap3A_51, %swap3A_52], %sub3A {strides = array<i32>} : memref<10000x128xf32, #tpu.memory_space<vmem>>, vector<10000x128xf32>,
    %swap3A_54 = arith.constant 0 : index
    %swap3A_55 = arith.constant 0 : index
    %swap3A_56 = vector.load %arg8[%swap3A_54, %swap3A_55] : memref<10000x128xf32, #tpu.memory_space<vmem>>, vector<10000x128xf32>
    tpu.vector_store %arg8[%swap3A_54, %swap3A_55], %mul3A_33 {strides = array<i32>} : memref<10000x128xf32, #tpu.memory_space<vmem>>, vector<10000x128xf32>,
    return
  }
}

</mosaic_0001>

<sc_bundles>
// kernel: kernel.11.cloned.1.call-start
scs
__scs_entry_jumppad:
0x0: {  	(pc) =	sbr.rel $0x88, $3  }
0x1: {  	(tag) =	ssettag $0x0;
	lr =	simm.s32 $0x1  }
0x2: {  	[smem:$0x3F9D] =	sst lr;
	_ =	strace $0xD0000000  }
0x3: {  	_ = 	snop  }
0x4: {  	_ = 	snop  }
0x5: {  	_ = 	snop  }
0x6: {  	_ = 	snop  }
0x7: {  	_ = 	snop  }
__scs_overlays_trampoline_lowered:
0x8: {  	[smem:$0x3FAC] =	sst s0  }
0x9: {  	[smem:$0x3FAD] =	sst s1  }
0xa: {  	[smem:$0x3FAE] =	sst s2  }
0xb: {  	[smem:$0x3FAF] =	sst s3  }
0xc: {  	[smem:$0x3FB0] =	sst s4  }
0xd: {  	[smem:$0x3FB1] =	sst s5  }
0xe: {  	[smem:$0x3FB2] =	sst s6  }
0xf: {  	[smem:$0x3FB3] =	sst s7  }
0x10: {  	[smem:$0x3FB4] =	sst s8  }
0x11: {  	[smem:$0x3FB5] =	sst s9;
	s0 =	simm.s32 @!p0 $0x0  }
0x12: {  	s1 =	sld [smem:$0x3F9B];
	s0 =	simm.s32 @p0 $0x1  }
0x13: {  	[smem:$0x3FB6] =	sst s0;
	s0 =	simm.s32 @!p1 $0x0  }
0x14: {  	s2 =	sld [smem:$0x3F9A];
	s0 =	simm.s32 @p1 $0x1  }
0x15: {  	[smem:$0x3FB7] =	sst s0;
	s0 =	simm.s32 @!p2 $0x0  }
0x16: {  	s3 =	sld [smem:$0x3FDB];
	s0 =	simm.s32 @p2 $0x1  }
0x17: {  	s4 =	simm.s32 $0x1BF5;
	[smem:$0x3FB9] =	sst s0  }
0x18: {  	s0 =	sld [smem:$0x3F9C];
	_ =	swait.ge [sflag:s4], $0x0  }
0x19: {  	s7 =	sld [smem:$0x3F9D]  }
0x1a: {  	s8 =	sadd.s32 $0xFFFFE003, lr  }
0x1b: {  	s9 =	sadd.s32 $0xFFFFFEF7, lr;
	s5 =	simm.s32 $0xFFFFFFFF;
	p2 =	slt.u32 s8, $0xFFFFF086  }
0x1c: {  	p1 =	slt.u32 s9, $0xF7A;
	s5 =	simm.s32 @!p2 $0x0  }
0x1d: {  	s5 =	simm.s32 @p1 $0x1;
	p0 =	seq.s32 s7, s2  }
0x1e: {  	s7 =	smul.u32 @!p0 $0xF7A, s2;
	p2 =	seq.s32 @!p0 s5, $0x0  }
0x1f: {  	s9 =	smul.u32 $0xF7A, s1;
	s8 =	simm.s32 @!p0 $0x1BF5;
	p2 =	por !p2, p0  }
0x20: {  	[sflag:s8] =	ssyncset.s32 @!p0 $0xFFFFF086;
	s6 =	sadd.s32 @!p0 s3, s7;
	s7 =	simm.s32 @!p0 $0x108  }
0x21: {  	s3 =	sadd.s32 s3, s9;
	s6 =	sadd.s32 @!p0 $0x88, s6;
	s7 =	simm.s32 @p2 $0x1082  }
0x22: {  	[simem:s7], [sflag:s8] =	dma.local @!p0 [hbm:s6], $0xF7A  }
0x23: {  	s9 =	sor.u32 $0xD0000000, s2;
	s6 =	simm.s32 $0x108;
	_ =	swait.ge @!p0 [sflag:s8], $0x0  }
0x24: {  	s3 =	sadd.s32 $0x88, s3;
	s6 =	simm.s32 @!p1 $0x1082;
	[sflag:s4] =	ssyncset.s32 $0xFFFFF086  }
0x25: {  	[simem:s6], [sflag:s4] =	dma.local [hbm:s3], $0xF7A  }
0x26: {  	[smem:$0x3F9D] =	sst s1;
	(tag) =	ssettag s2;
	_ =	strace s9  }
0x27: {  	s1 =	sld [smem:$0x3FAD]  }
0x28: {  	s2 =	sld [smem:$0x3FAE]  }
0x29: {  	s4 =	sld [smem:$0x3FB0]  }
0x2a: {  	p0 =	seq.s32 s5, $0x0;
	s5 =	sld [smem:$0x3FB1]  }
0x2b: {  	s6 =	sld [smem:$0x3FB2]  }
0x2c: {  	s7 =	sld [smem:$0x3FB3]  }
0x2d: {  	s3 =	simm.s32 $0x108;
	s8 =	sld [smem:$0x3FB4]  }
0x2e: {  	s3 =	simm.s32 @!p0 $0x1082;
	s9 =	sld [smem:$0x3FB5]  }
0x2f: {  	lr =	sadd.s32 s0, s3;
	s0 =	sld [smem:$0x3FAC]  }
0x30: {  	s3 =	sld [smem:$0x3FAF]  }
0x31: {  	[smem:$0x3FB8] =	sst s10  }
0x32: {  	s10 =	sld [smem:$0x3FB6];
	_ =	sdelay $0x3  }
0x33: {  	p0 =	seq.s32 s10, $0x1;
	s10 =	sld [smem:$0x3FB8];
	_ =	sdelay $0x3  }
0x34: {  	[smem:$0x3FB8] =	sst s10  }
0x35: {  	s10 =	sld [smem:$0x3FB7];
	_ =	sdelay $0x3  }
0x36: {  	p1 =	seq.s32 s10, $0x1;
	s10 =	sld [smem:$0x3FB8];
	_ =	sdelay $0x3  }
0x37: {  	[smem:$0x3FB8] =	sst s10  }
0x38: {  	s10 =	sld [smem:$0x3FB9]  }
0x39: {  	_ = 	snop;
	(pc) =	sbr.ind lr, $3  }
0x3a: {  	_ = 	snop  }
0x3b: {  	_ = 	snop  }
0x3c: {  	p2 =	seq.s32 s10, $0x1;
	s10 =	sld [smem:$0x3FB8]  }
0x3d: {  	_ =	shalt  }
0x3e: {  	_ =	shalt  }
0x3f: {  	_ =	shalt  }
0x40: {  	_ =	shalt  }
0x41: {  	_ =	shalt  }
0x42: {  	_ =	shalt  }
0x43: {  	_ =	shalt  }
0x44: {  	_ =	shalt  }
0x45: {  	_ =	shalt  }
0x46: {  	_ =	shalt  }
0x47: {  	_ =	shalt  }
0x48: {  	_ =	shalt  }
0x49: {  	_ =	shalt  }
0x4a: {  	_ =	shalt  }
0x4b: {  	_ =	shalt  }
0x4c: {  	_ =	shalt  }
0x4d: {  	_ =	shalt  }
0x4e: {  	_ =	shalt  }
0x4f: {  	_ =	shalt  }
0x50: {  	_ =	shalt  }
0x51: {  	_ =	shalt  }
0x52: {  	_ =	shalt  }
0x53: {  	_ =	shalt  }
0x54: {  	_ =	shalt  }
0x55: {  	_ =	shalt  }
0x56: {  	_ =	shalt  }
0x57: {  	_ =	shalt  }
0x58: {  	_ =	shalt  }
0x59: {  	_ =	shalt  }
0x5a: {  	_ =	shalt  }
0x5b: {  	_ =	shalt  }
0x5c: {  	_ =	shalt  }
0x5d: {  	_ =	shalt  }
0x5e: {  	_ =	shalt  }
0x5f: {  	_ =	shalt  }
0x60: {  	_ =	shalt  }
0x61: {  	_ =	shalt  }
0x62: {  	_ =	shalt  }
0x63: {  	_ =	shalt  }
0x64: {  	_ =	shalt  }
0x65: {  	_ =	shalt  }
0x66: {  	_ =	shalt  }
0x67: {  	_ =	shalt  }
0x68: {  	_ =	shalt  }
0x69: {  	_ =	shalt  }
0x6a: {  	_ =	shalt  }
0x6b: {  	_ =	shalt  }
0x6c: {  	_ =	shalt  }
0x6d: {  	_ =	shalt  }
0x6e: {  	_ =	shalt  }
0x6f: {  	_ =	shalt  }
0x70: {  	_ =	shalt  }
0x71: {  	_ =	shalt  }
0x72: {  	_ =	shalt  }
0x73: {  	_ =	shalt  }
0x74: {  	_ =	shalt  }
0x75: {  	_ =	shalt  }
0x76: {  	_ =	shalt  }
0x77: {  	_ =	shalt  }
0x78: {  	_ =	shalt  }
0x79: {  	_ =	shalt  }
0x7a: {  	_ =	shalt  }
0x7b: {  	_ =	shalt  }
0x7c: {  	_ =	shalt  }
0x7d: {  	_ =	shalt  }
0x7e: {  	_ =	shalt  }
0x7f: {  	_ =	shalt  }
0x80: {  	_ =	shalt  }
0x81: {  	_ =	shalt  }
0x82: {  	_ =	shalt  }
0x83: {  	_ =	shalt  }
0x84: {  	_ =	shalt  }
0x85: {  	_ =	shalt  }
0x86: {  	_ =	shalt  }
0x87: {  	_ =	shalt  }
.Lfunc_end0:
.L_simem_size_0:
called_computation.1_lowered:
.L_overlay_start_0:
0x88: {  	s2 =	sld [smem:$0x3FD9]  }
0x89: {  	s3 =	sld [smem:$0x3FFE];
	_ =	sdelay $0x1  }
0x8a: {  	s1 =	srdreg.scid  }
0x8b: {  	s0 =	sand.u32 $0x1, s1  }
0x8c: {  	s14 =	sshll.u32 s0, $0xA;
	s2 =	sadd.s32 s3, s2  }
0x8d: {  	s2 =	sadd.s32 s2, s14  }
0x8e: {  	[smem:$0x3FC4] =	sst s2  }
0x8f: {  	_ = 	snop  }
0x90: {  	s2 =	sld [smem:$0x3FD0];
	_ =	sdelay $0x2  }
0x91: {  	s4 =	simm.s32 $0xA;
	s5 =	simm.s32 $0x10;
	s15 =	sld [smem:$0x3FC8]  }
0x92: {  	[smem:s5], [sflag:s4] =	dma.local [hbm:s2], $0x1  }
0x93: {  	_ =	swait.eq [sflag:s4], $0x1  }
0x94: {  	[sflag:s4] =	ssyncset.done $0x0  }
0x95: {  	[sflag:s4] =	ssyncadd.s32 $0xFFFFFFFF  }
0x96: {  	s16 =	sld [smem:$0x11];
	(tm) =	ssettm $0x1  }
0x97: {  	s17 =	sld [smem:$0x3FFB];
	_ =	sdelay $0x3  }
0x98: {  	_ =	strace s17  }
0x99: {  	s4 =	sld [smem:$0x3FFC];
	_ =	sdelay $0x3  }
0x9a: {  	_ =	strace s4  }
0x9b: {  	s4 =	sld [smem:$0x3FFD];
	_ =	sdelay $0x3  }
0x9c: {  	_ =	strace s4  }
0x9d: {  	_ =	strace $0x8FFFFFFF  }
0x9e: {  	s18 =	sld [smem:$0x3FDB];
	_ =	sdelay $0x1  }
0x9f: {  	s19 =	simm.s32 $_scs_section_size  }
0xa0: {  	s6 =	simm.s32 $_size__tile_overlayer_lowered;
	s7 =	simm.s32 $_tile_overlayer_lowered  }
0xa1: {  	s22 =	simm.s32 $0x1BFF;
	s21 =	sshll.u32 s7, $0x1;
	s4 =	sadd.s32 s19, s18  }
0xa2: {  	s8 =	simm.s32 $0x0;
	s20 =	sshll.u32 s6, $0x1;
	s6 =	sadd.s32 s21, s4  }
0xa3: {  	[timem:s8], [sflag:s22] =	dma.local [hbm:s6], s20  }
0xa4: {  	_ =	swait.ge [sflag:s22], s20  }
0xa5: {  	s5 =	ssub.s32 $0x0, s20;
	[sflag:s22] =	ssyncset.done $0x0  }
0xa6: {  	[sflag:s22] =	ssyncadd.s32 s5;
	_ =	sdelay $0x1  }
0xa7: {  	s23 =	simm.s32 $0x1B8B  }
0xa8: {  	_ =	swait.ge [sflag:s23], $0x1  }
0xa9: {  	[sflag:s23] =	ssyncset.done $0x0  }
0xaa: {  	s25 =	simm.s32 $0x1B8E;
	s24 =	sld [smem:$0x3FFE];
	[sflag:s23] =	ssyncadd.s32 $0xFFFFFFFF  }
0xab: {  	s26 =	simm.s32 $execute0_lowered;
	[smem:$0x3FD2] =	sst s25  }
0xac: {  	s6 =	sshll.u32 s26, $0x1;
	_ =	strace $0x80000049;
	[dreg:$0x1] =	wrdreg $0xFFFFFFFF  }
0xad: {  	s28 =	simm.s32 $_size_execute0_lowered;
	s4 =	sadd.s32 s4, s6;
	[dreg:$0x0] =	wrdreg $0x0  }
0xae: {  	s6 =	sshll.u32 s28, $0x1;
	[dreg:$0x2] =	wrdreg s4  }
0xaf: {  	[dreg:$0x3] =	wrdreg s6  }
0xb0: {  	[dreg:$0x4] =	wrdreg $0xC0  }
0xb1: {  	_ =	task [dreg:s8], $0x5FFFF  }
0xb2: {  	[dreg:$0x1] =	wrdreg $0xFFFFFFFF  }
0xb3: {  	[dreg:$0x0] =	wrdreg $0x60  }
0xb4: {  	[dreg:$0x2] =	wrdreg s16  }
0xb5: {  	[dreg:$0x3] =	wrdreg s15  }
0xb6: {  	[dreg:$0x4] =	wrdreg s24  }
0xb7: {  	[dreg:$0x5] =	wrdreg $0xA8800  }
0xb8: {  	[dreg:$0x6] =	wrdreg $0x9  }
0xb9: {  	_ =	task.clear_ibuf [dreg:s8], $0x7FFFF;
	_ =	strace $0x90000049  }
0xba: {  	s29 =	simm.s32 $0x9;
	_ =	strace $0x8000004B  }
0xbb: {  	_ =	swait.ge [sflag:s29], $0x1  }
0xbc: {  	[sflag:s29] =	ssyncadd.s32 $0xFFFFFFFF  }
0xbd: {  	_ =	strace $0x9000004B  }
0xbe: {  	_ =	sfence  }
0xbf: {  	s30 =	sld [smem:$0x0];
	_ =	sdelay $0x2  }
0xc0: {  	s31 =	sshll.u32 s1, $0xD;
	s1 =	sshrl.u32 s1, $0x2  }
0xc1: {  	s3 =	sand.u32 $0x4000, s31;
	s1 =	sadd.s32 s1, s30  }
0xc2: {  	s0 =	sor.u32 s3, s0;
	s1 =	sshll.u32 s1, $0x11  }
0xc3: {  	s0 =	sor.u32 s1, s0  }
0xc4: {  	s0 =	sadd.s32 $0x8F2B, s0  }
0xc5: {  	[sflag:s0] =	ssyncadd.remote.s32 $0x1  }
0xc6: {  	_ =	sfence.sel $0xFFFF  }
0xc7: {  	[dreg:$0x0] =	wrdreg $0xFFFFFFFF;
	(pc) =	sbr.abs _section_cstart, $3  }
0xc8: {  	[dreg:$0x1] =	wrdreg $0xFFFFFFFF  }
0xc9: {  	_ =	task.clear_ibuf [dreg:s8], $0x2FFFF;
	_ =	strace $0x9FFFFFFF  }
0xca: {  	(tm) =	ssettm $0x7FFFFFFF  }
0xcb: {  	_ =	shalt  }
tec
execute0_lowered:
.L_overlay_start_1:
0x0: {  	(tag) =	ssettag $0x1  }
0x1: {  	s1 =	rddreg [dreg:$0x0]  }
0x2: {  	s2 =	rddreg [dreg:$0x1]  }
0x3: {  	s7 =	rddreg [dreg:$0x2]  }
0x4: {  	s3 =	rddreg [dreg:$0x3];
	s4 =	srdreg.scid  }
0x5: {  	s5 =	simm.s32 $0x0;
	s16 =	simm.s32 $0x80;
	s17 =	simm.s32 $0x100  }
0x6: {  	s18 =	simm.s32 $0x7;
	s21 =	simm.s32 $0x2780;
	s22 =	simm.s32 $0x2880  }
0x7: {  	s23 =	simm.s32 $0x2800;
	s24 =	simm.s32 $0x6880;
	s8 =	sand.u32 $0x1, s4  }
0x8: {  	s25 =	simm.s32 $0x3;
	s4 =	stileid.u32;
	s9 =	smul.u32 $0x140000, s8  }
0x9: {  	s26 =	simm.s32 $0x0;
	[smem:$0x7FF] =	sst s5;
	s10 =	smul.u32 $0x14000, s4  }
0xa: {  	s6 =	sshll.u32 s8, $0x4;
	_ =	strace $0x8000004A;
	s8 =	ssub.s32 $0x2, s8  }
0xb: {  	s15 =	smul.u32 $0x50000, s4;
	s19 =	sshll.u32 s4, $0x6;
	s11 =	sor.u32 s4, s6  }
0xc: {  	s6 =	sadd.s32 $0x2A600, s7;
	s30 =	sshrl.u32 s8, $0x1;
	s19 =	sor.u32 $0x1C07, s19  }
0xd: {  	s9 =	sadd.s32 s10, s9;
	s29 =	smul.u32 $0x4E, s11;
	s12 =	smin.u32 s11, $0x4  }
0xe: {  	s14 =	ssub.s32 s8, s30;
	p0 =	sgt.u32 s11, $0x3;
	s8 =	simm.s32 $0x4E  }
0xf: {  	s15 =	sshrl.u32 s15, $0x2;
	s9 =	sshrl.u32 s9, $0x3;
	s8 =	simm.s32 @!p0 $0x4F  }
0x10: {  	s20 =	sadd.s32 s15, s3;
	s13 =	sadd.s32 s9, s7;
	s7 =	sadd.s32 s12, s29  }
0x11: {  	s14 =	smax.u32 s14, $0x1;
	s20 =	sshrl.u32 s20, $0x3;
	s12 =	sshll.u32 s7, $0x5  }
0x12: {  	s9 =	sadd.s32 s2, s12;
	s31 =	sadd.s32 $0x20, s12;
	s12 =	sadd.s32 $0x2CE00, s13  }
0x13: {  	s13 =	simm.s32 $0x6;
	s10 =	sadd.s32 $0x10, s9;
	s15 =	sand.u32 $0x1FFFFFE0, s31  }
0x14: {  	s11 =	sadd.s32 $0x9D0, s9;
	s13 =	simm.s32 @!p0 $0x5;
	s15 =	sadd.s32 s2, s15  }
.LBB2_1:
0x15: {  	[tilespmem:s5], [sflag:$0x7] =	stream.strided.gather [hbm4b:s10+s16], $0x2700, s17, s16, $0x38;
	[tilespmem:$0x1E880] =	vst v63  }
0x16: {  	_ =	swait.ge [sflag:s18], $0x2700  }
0x17: {  	[sflag:s18] =	ssyncset.done $0x0  }
0x18: {  	s28 =	simm.s32 @!p0 $0x0;
	s29 =	simm.s32 @!p0 $0x2700;
	[sflag:s18] =	ssyncadd.s32 $0xFFFFD900  }
0x19: {  	[tilespmem:s29], [sflag:$0x7] =	stream.linear.gather @!p0 [hbm4b:s11+s28], $0x80, $0x38;
	[tilespmem:$0x1E880] =	vst v63  }
0x1a: {  	s28 =	simm.s32 @!p0 $0x7  }
0x1b: {  	_ =	swait.ge @!p0 [sflag:s28], $0x80  }
0x1c: {  	[sflag:s28] =	ssyncset.done @!p0 $0x0  }
0x1d: {  	[sflag:s28] =	ssyncadd.s32 @!p0 $0xFFFFFF80  }
0x1e: {  	[spmem:s20], [sflag:s19] =	dma.local [hbm:s6], $0x2800  }
0x1f: {  	_ =	swait.ge [sflag:s18], $0x2800  }
0x20: {  	[sflag:s18] =	ssyncset.done $0x0  }
0x21: {  	[sflag:s18] =	ssyncadd.s32 $0xFFFFD800  }
0x22: {  	[bflag:$0x0] =	sbarrier.arrive $0xFFFF  }
0x23: {  	[tilespmem:s21], [sflag:$0x3] =	stream.linear.gather [hbm4b:s9+s5], $0x80, $0x38;
	[tilespmem:$0x1E880] =	vst v63  }
0x24: {  	s28 =	simm.s32 $0x1  }
0x25: {  	[tilespmem:s22], [sflag:$0x1] =	stream.indirect.gather [hbm4b:s1+s16], $0x80, s5, s16, $0xb8;
	[tilespmem:$0x1E880] =	vst v63  }
0x26: {  	_ =	swait.ge [sflag:s28], $0x4000  }
0x27: {  	[sflag:s28] =	ssyncset.done $0x0  }
0x28: {  	[sflag:s28] =	ssyncadd.s32 $0xFFFFC000  }
0x29: {  	[tilespmem:s23], [sflag:$0x4] =	stream.linear.gather [hbm4b:s15+s5], $0x80, $0x38;
	[tilespmem:$0x1E880] =	vst v63  }
0x2a: {  	_ = 	snop  }
0x2b: {  	[tilespmem:s24], [sflag:$0x2] =	stream.indirect.gather [hbm4b:s1+s16], $0x80, s16, s16, $0xb8;
	[tilespmem:$0x1E880] =	vst v63  }
0x2c: {  	_ =	swait.ge [sflag:s25], $0x80  }
0x2d: {  	[sflag:s25] =	ssyncset.done $0x0  }
0x2e: {  	[sflag:s25] =	ssyncadd.s32 $0xFFFFFF80  }
0x2f: {  	[spmem:s3] =	stream.indirect.scatter.add.f32 [tilespmem:s22], [sflag:$0x5], $0x80, s21, s16, $0xb8;
	[tilespmem:$0x1E880] =	vst v63  }
.LBB2_2:
0x30: {  	s29 =	sand.u32 $0x1, s28  }
0x31: {  	p1 =	seq.s32 s29, $0x1  }
0x32: {  	s29 =	simm.s32 @p1 $0x2  }
0x33: {  	s30 =	sadd.s32 @p1 $0x1, s28;
	_ =	swait.ge @p1 [sflag:s29], $0x4000  }
0x34: {  	p2 =	sge.u32 @p1 s30, s8;
	[sflag:s29] =	ssyncset.done @p1 $0x0  }
0x35: {  	p2 =	por p2, !p1;
	[sflag:s29] =	ssyncadd.s32 @p1 $0xFFFFC000;
	s29 =	simm.s32 @p1 $0x5  }
0x36: {  	s31 =	sadd.s32 @!p2 s7, s30;
	_ =	swait.ge @p1 [sflag:s29], $0x4000  }
0x37: {  	s31 =	sshll.u32 @!p2 s31, $0x5;
	[sflag:s29] =	ssyncset.done @p1 $0x0  }
0x38: {  	[sflag:s29] =	ssyncadd.s32 @p1 $0xFFFFC000;
	s29 =	sand.u32 @!p2 $0x1FFFFFE0, s31  }
0x39: {  	s0 =	simm.s32 @!p2 $0x2780;
	s31 =	simm.s32 @!p2 $0x0;
	s29 =	sadd.s32 @!p2 s2, s29  }
0x3a: {  	[tilespmem:s0], [sflag:$0x3] =	stream.linear.gather @!p2 [hbm4b:s29+s31], $0x80, $0x38;
	[tilespmem:$0x1E880] =	vst v63  }
0x3b: {  	s0 =	sshll.u32 @!p2 s30, $0x7  }
0x3c: {  	s29 =	simm.s32 @!p2 $0x80;
	s31 =	simm.s32 @!p2 $0x2880;
	s0 =	sand.u32 @!p2 $0x3FFFFF80, s0  }
0x3d: {  	[tilespmem:s31], [sflag:$0x1] =	stream.indirect.gather @!p2 [hbm4b:s1+s29], $0x80, s0, s29, $0xb8;
	[tilespmem:$0x1E880] =	vst v63  }
0x3e: {  	s0 =	simm.s32 @p1 $0x4  }
0x3f: {  	_ =	swait.ge @p1 [sflag:s0], $0x80  }
0x40: {  	s29 =	simm.s32 @p1 $0x2800;
	[sflag:s0] =	ssyncset.done @p1 $0x0  }
0x41: {  	s31 =	simm.s32 @p1 $0x6880;
	[sflag:s0] =	ssyncadd.s32 @p1 $0xFFFFFF80;
	s0 =	simm.s32 @p1 $0x80  }
0x42: {  	[spmem:s3] =	stream.indirect.scatter.add.f32 @p1 [tilespmem:s31], [sflag:$0x6], $0x80, s29, s0, $0xb8;
	[tilespmem:$0x1E880] =	vst v63  }
0x43: {  	s0 =	simm.s32 @!p1 $0x1  }
0x44: {  	s28 =	sor.u32 @!p1 $0x1, s28;
	_ =	swait.ge @!p1 [sflag:s0], $0x4000  }
0x45: {  	p2 =	sge.u32 @!p1 s28, s8;
	[sflag:s0] =	ssyncset.done @!p1 $0x0  }
0x46: {  	p2 =	por p2, p1;
	[sflag:s0] =	ssyncadd.s32 @!p1 $0xFFFFC000;
	s0 =	simm.s32 @!p1 $0x6  }
0x47: {  	s29 =	sadd.s32 @!p2 s7, s28;
	_ =	swait.ge @!p1 [sflag:s0], $0x4000  }
0x48: {  	s29 =	sshll.u32 @!p2 s29, $0x5;
	[sflag:s0] =	ssyncset.done @!p1 $0x0  }
0x49: {  	[sflag:s0] =	ssyncadd.s32 @!p1 $0xFFFFC000;
	s0 =	sand.u32 @!p2 $0x1FFFFFE0, s29  }
0x4a: {  	s31 =	simm.s32 @!p2 $0x2800;
	s29 =	simm.s32 @!p2 $0x0;
	s0 =	sadd.s32 @!p2 s2, s0  }
0x4b: {  	[tilespmem:s31], [sflag:$0x4] =	stream.linear.gather @!p2 [hbm4b:s0+s29], $0x80, $0x38;
	[tilespmem:$0x1E880] =	vst v63  }
0x4c: {  	s0 =	sshll.u32 @!p2 s28, $0x7  }
0x4d: {  	s29 =	simm.s32 @!p2 $0x80;
	s31 =	simm.s32 @!p2 $0x6880;
	s0 =	sand.u32 @!p2 $0x3FFFFF80, s0  }
0x4e: {  	[tilespmem:s31], [sflag:$0x2] =	stream.indirect.gather @!p2 [hbm4b:s1+s29], $0x80, s0, s29, $0xb8;
	[tilespmem:$0x1E880] =	vst v63  }
0x4f: {  	s0 =	simm.s32 @!p1 $0x3  }
0x50: {  	_ =	swait.ge @!p1 [sflag:s0], $0x80  }
0x51: {  	s28 =	smov.u32 @p1 s30;
	s29 =	simm.s32 @!p1 $0x2780;
	[sflag:s0] =	ssyncset.done @!p1 $0x0  }
0x52: {  	s31 =	simm.s32 @!p1 $0x2880;
	[sflag:s0] =	ssyncadd.s32 @!p1 $0xFFFFFF80;
	s0 =	simm.s32 @!p1 $0x80  }
0x53: {  	[spmem:s3] =	stream.indirect.scatter.add.f32 @!p1 [tilespmem:s31], [sflag:$0x5], $0x80, s29, s0, $0xb8;
	[tilespmem:$0x1E880] =	vst v63  }
0x54: {  	p1 =	sne.s32 s28, s8  }
.Ltmp0:
0x55: {  	_ = 	snop;
	(pc) =	sbr.rel @p1 .LBB2_2-.Ltmp0, $1  }
0x56: {  	_ =	sdelay $0x3  }
0x57: {  	_ =	swait.ge [sflag:s13], $0x4000  }
0x58: {  	s26 =	sadd.s32 $0x1, s26;
	[sflag:s13] =	ssyncset.done $0x0  }
0x59: {  	p1 =	sne.s32 s26, s14;
	[sflag:s13] =	ssyncadd.s32 $0xFFFFC000  }
.Ltmp1:
0x5a: {  	[bflag:$0x0] =	sbarrier.arrive $0xFFFF;
	(pc) =	sbr.rel @p1 .LBB2_1-.Ltmp1, $4  }
0x5b: {  	[hbm:s12], [sflag:s19] =	dma.local [spmem:s20], $0x2800  }
0x5c: {  	_ =	swait.ge [sflag:s18], $0x2800  }
0x5d: {  	[sflag:s18] =	ssyncset.done $0x0  }
0x5e: {  	[sflag:s18] =	ssyncadd.s32 $0xFFFFD800  }
0x5f: {  	_ =	sfence.sel $0x180000  }
0x60: {  	[bflag:$0x0] =	sbarrier.arrive $0xFFFF  }
0x61: {  	_ =	strace $0x9000004A  }
0x62: {  	[bflag:$0x2] =	sbarrier.arrive $0xFFFF  }
0x63: {  	p0 =	sne.s32 s4, $0x0;
	s0 =	rddreg [dreg:$0x4]  }
0x64: {  	s0 =	sadd.s32 @!p0 $0x100000, s0  }
0x65: {  	[sflag:s0] =	ssyncadd.tile.s32 @!p0 $0x1;
	_ =	shalt  }
.Lfunc_end2:
_tile_overlayer_lowered:
.L_overlay_start_2:
0x66: {  	(tag) =	ssettag $0x2  }
0x67: {  	s0 =	rddreg [dreg:$0x0];
	s2 =	stileid.u32  }
0x68: {  	s1 =	rddreg [dreg:$0x1];
	p0 =	sne.s32 s2, $0x0  }
0x69: {  	s3 =	rddreg [dreg:$0x2];
	[bflag:$0x3] =	sbarrier.arrive $0xFFFF;
	s2 =	simm.s32 @!p0 $0x1C07  }
0x6a: {  	[timem:s3], [sflag:s2] =	dma.local @!p0 [hbm:s0], s1  }
0x6b: {  	s0 =	simm.s32 @!p0 $0x7  }
0x6c: {  	_ =	swait.ge @!p0 [sflag:s0], s1  }
0x6d: {  	s1 =	ssub.s32 @!p0 $0x0, s1;
	[sflag:s0] =	ssyncset.done @!p0 $0x0  }
0x6e: {  	[sflag:s0] =	ssyncadd.s32 @!p0 s1  }
0x6f: {  	[bflag:$0x3] =	sbarrier.arrive $0xFFFF  }
0x70: {  	_ =	shalt  }

// kernel: kernel.14.cloned.1.call-start
scs
__scs_entry_jumppad:
0x0: {  	(pc) =	sbr.rel $0x88, $3  }
0x1: {  	(tag) =	ssettag $0x0;
	lr =	simm.s32 $0x1  }
0x2: {  	[smem:$0x3F9D] =	sst lr;
	_ =	strace $0xD0000000  }
0x3: {  	_ = 	snop  }
0x4: {  	_ = 	snop  }
0x5: {  	_ = 	snop  }
0x6: {  	_ = 	snop  }
0x7: {  	_ = 	snop  }
__scs_overlays_trampoline_lowered:
0x8: {  	[smem:$0x3FAC] =	sst s0  }
0x9: {  	[smem:$0x3FAD] =	sst s1  }
0xa: {  	[smem:$0x3FAE] =	sst s2  }
0xb: {  	[smem:$0x3FAF] =	sst s3  }
0xc: {  	[smem:$0x3FB0] =	sst s4  }
0xd: {  	[smem:$0x3FB1] =	sst s5  }
0xe: {  	[smem:$0x3FB2] =	sst s6  }
0xf: {  	[smem:$0x3FB3] =	sst s7  }
0x10: {  	[smem:$0x3FB4] =	sst s8  }
0x11: {  	[smem:$0x3FB5] =	sst s9;
	s0 =	simm.s32 @!p0 $0x0  }
0x12: {  	s1 =	sld [smem:$0x3F9B];
	s0 =	simm.s32 @p0 $0x1  }
0x13: {  	[smem:$0x3FB6] =	sst s0;
	s0 =	simm.s32 @!p1 $0x0  }
0x14: {  	s2 =	sld [smem:$0x3F9A];
	s0 =	simm.s32 @p1 $0x1  }
0x15: {  	[smem:$0x3FB7] =	sst s0;
	s0 =	simm.s32 @!p2 $0x0  }
0x16: {  	s3 =	sld [smem:$0x3FDB];
	s0 =	simm.s32 @p2 $0x1  }
0x17: {  	s4 =	simm.s32 $0x1BF5;
	[smem:$0x3FB9] =	sst s0  }
0x18: {  	s0 =	sld [smem:$0x3F9C];
	_ =	swait.ge [sflag:s4], $0x0  }
0x19: {  	s7 =	sld [smem:$0x3F9D]  }
0x1a: {  	s8 =	sadd.s32 $0xFFFFE003, lr  }
0x1b: {  	s9 =	sadd.s32 $0xFFFFFEF7, lr;
	s5 =	simm.s32 $0xFFFFFFFF;
	p2 =	slt.u32 s8, $0xFFFFF086  }
0x1c: {  	p1 =	slt.u32 s9, $0xF7A;
	s5 =	simm.s32 @!p2 $0x0  }
0x1d: {  	s5 =	simm.s32 @p1 $0x1;
	p0 =	seq.s32 s7, s2  }
0x1e: {  	s7 =	smul.u32 @!p0 $0xF7A, s2;
	p2 =	seq.s32 @!p0 s5, $0x0  }
0x1f: {  	s9 =	smul.u32 $0xF7A, s1;
	s8 =	simm.s32 @!p0 $0x1BF5;
	p2 =	por !p2, p0  }
0x20: {  	[sflag:s8] =	ssyncset.s32 @!p0 $0xFFFFF086;
	s6 =	sadd.s32 @!p0 s3, s7;
	s7 =	simm.s32 @!p0 $0x108  }
0x21: {  	s3 =	sadd.s32 s3, s9;
	s6 =	sadd.s32 @!p0 $0x88, s6;
	s7 =	simm.s32 @p2 $0x1082  }
0x22: {  	[simem:s7], [sflag:s8] =	dma.local @!p0 [hbm:s6], $0xF7A  }
0x23: {  	s9 =	sor.u32 $0xD0000000, s2;
	s6 =	simm.s32 $0x108;
	_ =	swait.ge @!p0 [sflag:s8], $0x0  }
0x24: {  	s3 =	sadd.s32 $0x88, s3;
	s6 =	simm.s32 @!p1 $0x1082;
	[sflag:s4] =	ssyncset.s32 $0xFFFFF086  }
0x25: {  	[simem:s6], [sflag:s4] =	dma.local [hbm:s3], $0xF7A  }
0x26: {  	[smem:$0x3F9D] =	sst s1;
	(tag) =	ssettag s2;
	_ =	strace s9  }
0x27: {  	s1 =	sld [smem:$0x3FAD]  }
0x28: {  	s2 =	sld [smem:$0x3FAE]  }
0x29: {  	s4 =	sld [smem:$0x3FB0]  }
0x2a: {  	p0 =	seq.s32 s5, $0x0;
	s5 =	sld [smem:$0x3FB1]  }
0x2b: {  	s6 =	sld [smem:$0x3FB2]  }
0x2c: {  	s7 =	sld [smem:$0x3FB3]  }
0x2d: {  	s3 =	simm.s32 $0x108;
	s8 =	sld [smem:$0x3FB4]  }
0x2e: {  	s3 =	simm.s32 @!p0 $0x1082;
	s9 =	sld [smem:$0x3FB5]  }
0x2f: {  	lr =	sadd.s32 s0, s3;
	s0 =	sld [smem:$0x3FAC]  }
0x30: {  	s3 =	sld [smem:$0x3FAF]  }
0x31: {  	[smem:$0x3FB8] =	sst s10  }
0x32: {  	s10 =	sld [smem:$0x3FB6];
	_ =	sdelay $0x3  }
0x33: {  	p0 =	seq.s32 s10, $0x1;
	s10 =	sld [smem:$0x3FB8];
	_ =	sdelay $0x3  }
0x34: {  	[smem:$0x3FB8] =	sst s10  }
0x35: {  	s10 =	sld [smem:$0x3FB7];
	_ =	sdelay $0x3  }
0x36: {  	p1 =	seq.s32 s10, $0x1;
	s10 =	sld [smem:$0x3FB8];
	_ =	sdelay $0x3  }
0x37: {  	[smem:$0x3FB8] =	sst s10  }
0x38: {  	s10 =	sld [smem:$0x3FB9]  }
0x39: {  	_ = 	snop;
	(pc) =	sbr.ind lr, $3  }
0x3a: {  	_ = 	snop  }
0x3b: {  	_ = 	snop  }
0x3c: {  	p2 =	seq.s32 s10, $0x1;
	s10 =	sld [smem:$0x3FB8]  }
0x3d: {  	_ =	shalt  }
0x3e: {  	_ =	shalt  }
0x3f: {  	_ =	shalt  }
0x40: {  	_ =	shalt  }
0x41: {  	_ =	shalt  }
0x42: {  	_ =	shalt  }
0x43: {  	_ =	shalt  }
0x44: {  	_ =	shalt  }
0x45: {  	_ =	shalt  }
0x46: {  	_ =	shalt  }
0x47: {  	_ =	shalt  }
0x48: {  	_ =	shalt  }
0x49: {  	_ =	shalt  }
0x4a: {  	_ =	shalt  }
0x4b: {  	_ =	shalt  }
0x4c: {  	_ =	shalt  }
0x4d: {  	_ =	shalt  }
0x4e: {  	_ =	shalt  }
0x4f: {  	_ =	shalt  }
0x50: {  	_ =	shalt  }
0x51: {  	_ =	shalt  }
0x52: {  	_ =	shalt  }
0x53: {  	_ =	shalt  }
0x54: {  	_ =	shalt  }
0x55: {  	_ =	shalt  }
0x56: {  	_ =	shalt  }
0x57: {  	_ =	shalt  }
0x58: {  	_ =	shalt  }
0x59: {  	_ =	shalt  }
0x5a: {  	_ =	shalt  }
0x5b: {  	_ =	shalt  }
0x5c: {  	_ =	shalt  }
0x5d: {  	_ =	shalt  }
0x5e: {  	_ =	shalt  }
0x5f: {  	_ =	shalt  }
0x60: {  	_ =	shalt  }
0x61: {  	_ =	shalt  }
0x62: {  	_ =	shalt  }
0x63: {  	_ =	shalt  }
0x64: {  	_ =	shalt  }
0x65: {  	_ =	shalt  }
0x66: {  	_ =	shalt  }
0x67: {  	_ =	shalt  }
0x68: {  	_ =	shalt  }
0x69: {  	_ =	shalt  }
0x6a: {  	_ =	shalt  }
0x6b: {  	_ =	shalt  }
0x6c: {  	_ =	shalt  }
0x6d: {  	_ =	shalt  }
0x6e: {  	_ =	shalt  }
0x6f: {  	_ =	shalt  }
0x70: {  	_ =	shalt  }
0x71: {  	_ =	shalt  }
0x72: {  	_ =	shalt  }
0x73: {  	_ =	shalt  }
0x74: {  	_ =	shalt  }
0x75: {  	_ =	shalt  }
0x76: {  	_ =	shalt  }
0x77: {  	_ =	shalt  }
0x78: {  	_ =	shalt  }
0x79: {  	_ =	shalt  }
0x7a: {  	_ =	shalt  }
0x7b: {  	_ =	shalt  }
0x7c: {  	_ =	shalt  }
0x7d: {  	_ =	shalt  }
0x7e: {  	_ =	shalt  }
0x7f: {  	_ =	shalt  }
0x80: {  	_ =	shalt  }
0x81: {  	_ =	shalt  }
0x82: {  	_ =	shalt  }
0x83: {  	_ =	shalt  }
0x84: {  	_ =	shalt  }
0x85: {  	_ =	shalt  }
0x86: {  	_ =	shalt  }
0x87: {  	_ =	shalt  }
.Lfunc_end0:
.L_simem_size_0:
called_computation.2_lowered:
.L_overlay_start_0:
0x88: {  	s2 =	sld [smem:$0x3FD9]  }
0x89: {  	s3 =	sld [smem:$0x3FFE];
	_ =	sdelay $0x1  }
0x8a: {  	s1 =	srdreg.scid  }
0x8b: {  	s0 =	sand.u32 $0x1, s1  }
0x8c: {  	s17 =	sshll.u32 s0, $0xA;
	s2 =	sadd.s32 s3, s2  }
0x8d: {  	s2 =	sadd.s32 s2, s17  }
0x8e: {  	[smem:$0x3FC4] =	sst s2  }
0x8f: {  	_ = 	snop  }
0x90: {  	s2 =	sld [smem:$0x3FC8];
	(tm) =	ssettm $0x1  }
0x91: {  	s18 =	sld [smem:$0x3FFB];
	_ =	sdelay $0x3  }
0x92: {  	_ =	strace s18  }
0x93: {  	s3 =	sld [smem:$0x3FFC];
	_ =	sdelay $0x3  }
0x94: {  	_ =	strace s3  }
0x95: {  	s3 =	sld [smem:$0x3FFD];
	_ =	sdelay $0x3  }
0x96: {  	_ =	strace s3  }
0x97: {  	_ =	strace $0x8FFFFFFF  }
0x98: {  	s19 =	sld [smem:$0x3FDB];
	_ =	sdelay $0x1  }
0x99: {  	s4 =	simm.s32 $_scs_section_size  }
0x9a: {  	s5 =	simm.s32 $_size__tile_overlayer_lowered;
	s6 =	simm.s32 $_tile_overlayer_lowered  }
0x9b: {  	s22 =	simm.s32 $0x1BFF;
	s21 =	sshll.u32 s6, $0x1;
	s3 =	sadd.s32 s4, s19  }
0x9c: {  	s7 =	simm.s32 $0x0;
	s20 =	sshll.u32 s5, $0x1;
	s5 =	sadd.s32 s21, s3  }
0x9d: {  	[timem:s7], [sflag:s22] =	dma.local [hbm:s5], s20  }
0x9e: {  	_ =	swait.ge [sflag:s22], s20  }
0x9f: {  	s4 =	ssub.s32 $0x0, s20;
	[sflag:s22] =	ssyncset.done $0x0  }
0xa0: {  	[sflag:s22] =	ssyncadd.s32 s4;
	_ =	sdelay $0x1  }
0xa1: {  	s23 =	simm.s32 $0x1B8B  }
0xa2: {  	_ =	swait.ge [sflag:s23], $0x1  }
0xa3: {  	[sflag:s23] =	ssyncset.done $0x0  }
0xa4: {  	s25 =	simm.s32 $0x1B8E;
	s24 =	sld [smem:$0x3FFE];
	[sflag:s23] =	ssyncadd.s32 $0xFFFFFFFF  }
0xa5: {  	s26 =	simm.s32 $execute0_lowered;
	[smem:$0x3FD2] =	sst s25  }
0xa6: {  	s5 =	sshll.u32 s26, $0x1;
	_ =	strace $0x8000004C;
	[dreg:$0x1] =	wrdreg $0xFFFFFFFF  }
0xa7: {  	s28 =	simm.s32 $_size_execute0_lowered;
	s3 =	sadd.s32 s3, s5;
	[dreg:$0x0] =	wrdreg $0x0  }
0xa8: {  	s5 =	sshll.u32 s28, $0x1;
	[dreg:$0x2] =	wrdreg s3  }
0xa9: {  	[dreg:$0x3] =	wrdreg s5  }
0xaa: {  	[dreg:$0x4] =	wrdreg $0xC0  }
0xab: {  	_ =	task [dreg:s7], $0x5FFFF  }
0xac: {  	[dreg:$0x1] =	wrdreg $0xFFFFFFFF  }
0xad: {  	[dreg:$0x0] =	wrdreg $0x60  }
0xae: {  	[dreg:$0x2] =	wrdreg s24  }
0xaf: {  	[dreg:$0x3] =	wrdreg s2  }
0xb0: {  	[dreg:$0x4] =	wrdreg $0xA8800  }
0xb1: {  	[dreg:$0x5] =	wrdreg $0x9  }
0xb2: {  	_ =	task.clear_ibuf [dreg:s7], $0x6FFFF;
	_ =	strace $0x9000004C  }
0xb3: {  	s29 =	simm.s32 $0x9;
	_ =	strace $0x8000004E  }
0xb4: {  	_ =	swait.ge [sflag:s29], $0x1  }
0xb5: {  	[sflag:s29] =	ssyncadd.s32 $0xFFFFFFFF  }
0xb6: {  	_ =	strace $0x9000004E  }
0xb7: {  	_ =	sfence  }
0xb8: {  	s30 =	sld [smem:$0x0];
	_ =	sdelay $0x2  }
0xb9: {  	s31 =	sshll.u32 s1, $0xD;
	s1 =	sshrl.u32 s1, $0x2  }
0xba: {  	s3 =	sand.u32 $0x4000, s31;
	s1 =	sadd.s32 s1, s30  }
0xbb: {  	s0 =	sor.u32 s3, s0;
	s1 =	sshll.u32 s1, $0x11  }
0xbc: {  	s0 =	sor.u32 s1, s0  }
0xbd: {  	s0 =	sadd.s32 $0x8F2B, s0  }
0xbe: {  	[sflag:s0] =	ssyncadd.remote.s32 $0x1  }
0xbf: {  	_ =	sfence.sel $0xFFFF  }
0xc0: {  	[dreg:$0x0] =	wrdreg $0xFFFFFFFF;
	(pc) =	sbr.abs _section_cstart, $3  }
0xc1: {  	[dreg:$0x1] =	wrdreg $0xFFFFFFFF  }
0xc2: {  	_ =	task.clear_ibuf [dreg:s7], $0x2FFFF;
	_ =	strace $0x9FFFFFFF  }
0xc3: {  	(tm) =	ssettm $0x7FFFFFFF  }
tec
execute0_lowered:
.L_overlay_start_1:
0x0: {  	(tag) =	ssettag $0x1  }
0x1: {  	s7 =	rddreg [dreg:$0x0]  }
0x2: {  	s1 =	rddreg [dreg:$0x1]  }
0x3: {  	s2 =	rddreg [dreg:$0x2];
	s3 =	srdreg.scid;
	s4 =	simm.s32 $0x0  }
0x4: {  	s16 =	simm.s32 $0x80;
	s17 =	simm.s32 $0x100;
	s18 =	simm.s32 $0x7  }
0x5: {  	s21 =	simm.s32 $0x2780;
	s22 =	simm.s32 $0x2880;
	s23 =	simm.s32 $0x2800  }
0x6: {  	s24 =	simm.s32 $0x6880;
	s25 =	simm.s32 $0x3;
	s8 =	sand.u32 $0x1, s3  }
0x7: {  	s26 =	simm.s32 $0x0;
	s3 =	stileid.u32;
	s9 =	smul.u32 $0x140000, s8  }
0x8: {  	[smem:$0x7FF] =	sst s4;
	s5 =	sadd.s32 $0x2CE00, s7;
	s10 =	smul.u32 $0x14000, s3  }
0x9: {  	s6 =	sshll.u32 s8, $0x4;
	_ =	strace $0x8000004D;
	s8 =	ssub.s32 $0x2, s8  }
0xa: {  	s15 =	smul.u32 $0x50000, s3;
	s19 =	sshll.u32 s3, $0x6;
	s11 =	sor.u32 s3, s6  }
0xb: {  	s6 =	sadd.s32 $0x2A600, s7;
	s30 =	sshrl.u32 s8, $0x1;
	s19 =	sor.u32 $0x1C07, s19  }
0xc: {  	s9 =	sadd.s32 s10, s9;
	s29 =	smul.u32 $0x4E, s11;
	s12 =	smin.u32 s11, $0x4  }
0xd: {  	s14 =	ssub.s32 s8, s30;
	p0 =	sgt.u32 s11, $0x3;
	s8 =	simm.s32 $0x4E  }
0xe: {  	s15 =	sshrl.u32 s15, $0x2;
	s9 =	sshrl.u32 s9, $0x3;
	s8 =	simm.s32 @!p0 $0x4F  }
0xf: {  	s20 =	sadd.s32 s15, s2;
	s13 =	sadd.s32 s9, s7;
	s7 =	sadd.s32 s12, s29  }
0x10: {  	s14 =	smax.u32 s14, $0x1;
	s20 =	sshrl.u32 s20, $0x3;
	s12 =	sshll.u32 s7, $0x5  }
0x11: {  	s9 =	sadd.s32 s1, s12;
	s31 =	sadd.s32 $0x20, s12;
	s12 =	sadd.s32 $0x54E00, s13  }
0x12: {  	s13 =	simm.s32 $0x6;
	s10 =	sadd.s32 $0x10, s9;
	s15 =	sand.u32 $0x1FFFFFE0, s31  }
0x13: {  	s11 =	sadd.s32 $0x9D0, s9;
	s13 =	simm.s32 @!p0 $0x5;
	s15 =	sadd.s32 s1, s15  }
.LBB2_1:
0x14: {  	[tilespmem:s4], [sflag:$0x7] =	stream.strided.gather [hbm4b:s10+s16], $0x2700, s17, s16, $0x38;
	[tilespmem:$0x1E880] =	vst v63  }
0x15: {  	_ =	swait.ge [sflag:s18], $0x2700  }
0x16: {  	[sflag:s18] =	ssyncset.done $0x0  }
0x17: {  	s28 =	simm.s32 @!p0 $0x0;
	s29 =	simm.s32 @!p0 $0x2700;
	[sflag:s18] =	ssyncadd.s32 $0xFFFFD900  }
0x18: {  	[tilespmem:s29], [sflag:$0x7] =	stream.linear.gather @!p0 [hbm4b:s11+s28], $0x80, $0x38;
	[tilespmem:$0x1E880] =	vst v63  }
0x19: {  	s28 =	simm.s32 @!p0 $0x7  }
0x1a: {  	_ =	swait.ge @!p0 [sflag:s28], $0x80  }
0x1b: {  	[sflag:s28] =	ssyncset.done @!p0 $0x0  }
0x1c: {  	[sflag:s28] =	ssyncadd.s32 @!p0 $0xFFFFFF80  }
0x1d: {  	[spmem:s20], [sflag:s19] =	dma.local [hbm:s6], $0x2800  }
0x1e: {  	_ =	swait.ge [sflag:s18], $0x2800  }
0x1f: {  	[sflag:s18] =	ssyncset.done $0x0  }
0x20: {  	[sflag:s18] =	ssyncadd.s32 $0xFFFFD800  }
0x21: {  	[bflag:$0x0] =	sbarrier.arrive $0xFFFF  }
0x22: {  	[tilespmem:s21], [sflag:$0x3] =	stream.linear.gather [hbm4b:s9+s4], $0x80, $0x38;
	[tilespmem:$0x1E880] =	vst v63  }
0x23: {  	s28 =	simm.s32 $0x1  }
0x24: {  	[tilespmem:s22], [sflag:$0x1] =	stream.indirect.gather [hbm4b:s5+s16], $0x80, s4, s16, $0xb8;
	[tilespmem:$0x1E880] =	vst v63  }
0x25: {  	_ =	swait.ge [sflag:s28], $0x4000  }
0x26: {  	[sflag:s28] =	ssyncset.done $0x0  }
0x27: {  	[sflag:s28] =	ssyncadd.s32 $0xFFFFC000  }
0x28: {  	[tilespmem:s23], [sflag:$0x4] =	stream.linear.gather [hbm4b:s15+s4], $0x80, $0x38;
	[tilespmem:$0x1E880] =	vst v63  }
0x29: {  	_ = 	snop  }
0x2a: {  	[tilespmem:s24], [sflag:$0x2] =	stream.indirect.gather [hbm4b:s5+s16], $0x80, s16, s16, $0xb8;
	[tilespmem:$0x1E880] =	vst v63  }
0x2b: {  	_ =	swait.ge [sflag:s25], $0x80  }
0x2c: {  	[sflag:s25] =	ssyncset.done $0x0  }
0x2d: {  	[sflag:s25] =	ssyncadd.s32 $0xFFFFFF80  }
0x2e: {  	[spmem:s2] =	stream.indirect.scatter.add.f32 [tilespmem:s22], [sflag:$0x5], $0x80, s21, s16, $0xb8;
	[tilespmem:$0x1E880] =	vst v63  }
.LBB2_2:
0x2f: {  	s29 =	sand.u32 $0x1, s28  }
0x30: {  	p1 =	seq.s32 s29, $0x1  }
0x31: {  	s29 =	simm.s32 @p1 $0x2  }
0x32: {  	s30 =	sadd.s32 @p1 $0x1, s28;
	_ =	swait.ge @p1 [sflag:s29], $0x4000  }
0x33: {  	p2 =	sge.u32 @p1 s30, s8;
	[sflag:s29] =	ssyncset.done @p1 $0x0  }
0x34: {  	p2 =	por p2, !p1;
	[sflag:s29] =	ssyncadd.s32 @p1 $0xFFFFC000;
	s29 =	simm.s32 @p1 $0x5  }
0x35: {  	s31 =	sadd.s32 @!p2 s7, s30;
	_ =	swait.ge @p1 [sflag:s29], $0x4000  }
0x36: {  	s31 =	sshll.u32 @!p2 s31, $0x5;
	[sflag:s29] =	ssyncset.done @p1 $0x0  }
0x37: {  	[sflag:s29] =	ssyncadd.s32 @p1 $0xFFFFC000;
	s29 =	sand.u32 @!p2 $0x1FFFFFE0, s31  }
0x38: {  	s0 =	simm.s32 @!p2 $0x2780;
	s31 =	simm.s32 @!p2 $0x0;
	s29 =	sadd.s32 @!p2 s1, s29  }
0x39: {  	[tilespmem:s0], [sflag:$0x3] =	stream.linear.gather @!p2 [hbm4b:s29+s31], $0x80, $0x38;
	[tilespmem:$0x1E880] =	vst v63  }
0x3a: {  	s0 =	sshll.u32 @!p2 s30, $0x7  }
0x3b: {  	s29 =	simm.s32 @!p2 $0x80;
	s31 =	simm.s32 @!p2 $0x2880;
	s0 =	sand.u32 @!p2 $0x3FFFFF80, s0  }
0x3c: {  	[tilespmem:s31], [sflag:$0x1] =	stream.indirect.gather @!p2 [hbm4b:s5+s29], $0x80, s0, s29, $0xb8;
	[tilespmem:$0x1E880] =	vst v63  }
0x3d: {  	s0 =	simm.s32 @p1 $0x4  }
0x3e: {  	_ =	swait.ge @p1 [sflag:s0], $0x80  }
0x3f: {  	s29 =	simm.s32 @p1 $0x2800;
	[sflag:s0] =	ssyncset.done @p1 $0x0  }
0x40: {  	s31 =	simm.s32 @p1 $0x6880;
	[sflag:s0] =	ssyncadd.s32 @p1 $0xFFFFFF80;
	s0 =	simm.s32 @p1 $0x80  }
0x41: {  	[spmem:s2] =	stream.indirect.scatter.add.f32 @p1 [tilespmem:s31], [sflag:$0x6], $0x80, s29, s0, $0xb8;
	[tilespmem:$0x1E880] =	vst v63  }
0x42: {  	s0 =	simm.s32 @!p1 $0x1  }
0x43: {  	s28 =	sor.u32 @!p1 $0x1, s28;
	_ =	swait.ge @!p1 [sflag:s0], $0x4000  }
0x44: {  	p2 =	sge.u32 @!p1 s28, s8;
	[sflag:s0] =	ssyncset.done @!p1 $0x0  }
0x45: {  	p2 =	por p2, p1;
	[sflag:s0] =	ssyncadd.s32 @!p1 $0xFFFFC000;
	s0 =	simm.s32 @!p1 $0x6  }
0x46: {  	s29 =	sadd.s32 @!p2 s7, s28;
	_ =	swait.ge @!p1 [sflag:s0], $0x4000  }
0x47: {  	s29 =	sshll.u32 @!p2 s29, $0x5;
	[sflag:s0] =	ssyncset.done @!p1 $0x0  }
0x48: {  	[sflag:s0] =	ssyncadd.s32 @!p1 $0xFFFFC000;
	s0 =	sand.u32 @!p2 $0x1FFFFFE0, s29  }
0x49: {  	s31 =	simm.s32 @!p2 $0x2800;
	s29 =	simm.s32 @!p2 $0x0;
	s0 =	sadd.s32 @!p2 s1, s0  }
0x4a: {  	[tilespmem:s31], [sflag:$0x4] =	stream.linear.gather @!p2 [hbm4b:s0+s29], $0x80, $0x38;
	[tilespmem:$0x1E880] =	vst v63  }
0x4b: {  	s0 =	sshll.u32 @!p2 s28, $0x7  }
0x4c: {  	s29 =	simm.s32 @!p2 $0x80;
	s31 =	simm.s32 @!p2 $0x6880;
	s0 =	sand.u32 @!p2 $0x3FFFFF80, s0  }
0x4d: {  	[tilespmem:s31], [sflag:$0x2] =	stream.indirect.gather @!p2 [hbm4b:s5+s29], $0x80, s0, s29, $0xb8;
	[tilespmem:$0x1E880] =	vst v63  }
0x4e: {  	s0 =	simm.s32 @!p1 $0x3  }
0x4f: {  	_ =	swait.ge @!p1 [sflag:s0], $0x80  }
0x50: {  	s28 =	smov.u32 @p1 s30;
	s29 =	simm.s32 @!p1 $0x2780;
	[sflag:s0] =	ssyncset.done @!p1 $0x0  }
0x51: {  	s31 =	simm.s32 @!p1 $0x2880;
	[sflag:s0] =	ssyncadd.s32 @!p1 $0xFFFFFF80;
	s0 =	simm.s32 @!p1 $0x80  }
0x52: {  	[spmem:s2] =	stream.indirect.scatter.add.f32 @!p1 [tilespmem:s31], [sflag:$0x5], $0x80, s29, s0, $0xb8;
	[tilespmem:$0x1E880] =	vst v63  }
0x53: {  	p1 =	sne.s32 s28, s8  }
.Ltmp0:
0x54: {  	_ = 	snop;
	(pc) =	sbr.rel @p1 .LBB2_2-.Ltmp0, $1  }
0x55: {  	_ =	sdelay $0x3  }
0x56: {  	_ =	swait.ge [sflag:s13], $0x4000  }
0x57: {  	s26 =	sadd.s32 $0x1, s26;
	[sflag:s13] =	ssyncset.done $0x0  }
0x58: {  	p1 =	sne.s32 s26, s14;
	[sflag:s13] =	ssyncadd.s32 $0xFFFFC000  }
.Ltmp1:
0x59: {  	[bflag:$0x0] =	sbarrier.arrive $0xFFFF;
	(pc) =	sbr.rel @p1 .LBB2_1-.Ltmp1, $4  }
0x5a: {  	[hbm:s12], [sflag:s19] =	dma.local [spmem:s20], $0x2800  }
0x5b: {  	_ =	swait.ge [sflag:s18], $0x2800  }
0x5c: {  	[sflag:s18] =	ssyncset.done $0x0  }
0x5d: {  	[sflag:s18] =	ssyncadd.s32 $0xFFFFD800  }
0x5e: {  	_ =	sfence.sel $0x180000  }
0x5f: {  	[bflag:$0x0] =	sbarrier.arrive $0xFFFF  }
0x60: {  	_ =	strace $0x9000004D  }
0x61: {  	[bflag:$0x2] =	sbarrier.arrive $0xFFFF  }
0x62: {  	p0 =	sne.s32 s3, $0x0;
	s0 =	rddreg [dreg:$0x3]  }
0x63: {  	s0 =	sadd.s32 @!p0 $0x100000, s0  }
0x64: {  	[sflag:s0] =	ssyncadd.tile.s32 @!p0 $0x1;
	_ =	shalt  }
.Lfunc_end2:
_tile_overlayer_lowered:
.L_overlay_start_2:
0x65: {  	(tag) =	ssettag $0x2  }
0x66: {  	s0 =	rddreg [dreg:$0x0];
	s2 =	stileid.u32  }
0x67: {  	s1 =	rddreg [dreg:$0x1];
	p0 =	sne.s32 s2, $0x0  }
0x68: {  	s3 =	rddreg [dreg:$0x2];
	[bflag:$0x3] =	sbarrier.arrive $0xFFFF;
	s2 =	simm.s32 @!p0 $0x1C07  }
0x69: {  	[timem:s3], [sflag:s2] =	dma.local @!p0 [hbm:s0], s1  }
0x6a: {  	s0 =	simm.s32 @!p0 $0x7  }
0x6b: {  	_ =	swait.ge @!p0 [sflag:s0], s1  }
0x6c: {  	s1 =	ssub.s32 @!p0 $0x0, s1;
	[sflag:s0] =	ssyncset.done @!p0 $0x0  }
0x6d: {  	[sflag:s0] =	ssyncadd.s32 @!p0 s1  }
0x6e: {  	[bflag:$0x3] =	sbarrier.arrive $0xFFFF  }
0x6f: {  	_ =	shalt  }

// kernel: kernel.8.cloned.1.call-start
scs
__scs_entry_jumppad:
0x0: {  	(pc) =	sbr.rel $0x88, $3  }
0x1: {  	(tag) =	ssettag $0x0;
	lr =	simm.s32 $0x1  }
0x2: {  	[smem:$0x3F9D] =	sst lr;
	_ =	strace $0xD0000000  }
0x3: {  	_ = 	snop  }
0x4: {  	_ = 	snop  }
0x5: {  	_ = 	snop  }
0x6: {  	_ = 	snop  }
0x7: {  	_ = 	snop  }
__scs_overlays_trampoline_lowered:
0x8: {  	[smem:$0x3FAC] =	sst s0  }
0x9: {  	[smem:$0x3FAD] =	sst s1  }
0xa: {  	[smem:$0x3FAE] =	sst s2  }
0xb: {  	[smem:$0x3FAF] =	sst s3  }
0xc: {  	[smem:$0x3FB0] =	sst s4  }
0xd: {  	[smem:$0x3FB1] =	sst s5  }
0xe: {  	[smem:$0x3FB2] =	sst s6  }
0xf: {  	[smem:$0x3FB3] =	sst s7  }
0x10: {  	[smem:$0x3FB4] =	sst s8  }
0x11: {  	[smem:$0x3FB5] =	sst s9;
	s0 =	simm.s32 @!p0 $0x0  }
0x12: {  	s1 =	sld [smem:$0x3F9B];
	s0 =	simm.s32 @p0 $0x1  }
0x13: {  	[smem:$0x3FB6] =	sst s0;
	s0 =	simm.s32 @!p1 $0x0  }
0x14: {  	s2 =	sld [smem:$0x3F9A];
	s0 =	simm.s32 @p1 $0x1  }
0x15: {  	[smem:$0x3FB7] =	sst s0;
	s0 =	simm.s32 @!p2 $0x0  }
0x16: {  	s3 =	sld [smem:$0x3FDB];
	s0 =	simm.s32 @p2 $0x1  }
0x17: {  	s4 =	simm.s32 $0x1BF5;
	[smem:$0x3FB9] =	sst s0  }
0x18: {  	s0 =	sld [smem:$0x3F9C];
	_ =	swait.ge [sflag:s4], $0x0  }
0x19: {  	s7 =	sld [smem:$0x3F9D]  }
0x1a: {  	s8 =	sadd.s32 $0xFFFFE003, lr  }
0x1b: {  	s9 =	sadd.s32 $0xFFFFFEF7, lr;
	s5 =	simm.s32 $0xFFFFFFFF;
	p2 =	slt.u32 s8, $0xFFFFF086  }
0x1c: {  	p1 =	slt.u32 s9, $0xF7A;
	s5 =	simm.s32 @!p2 $0x0  }
0x1d: {  	s5 =	simm.s32 @p1 $0x1;
	p0 =	seq.s32 s7, s2  }
0x1e: {  	s7 =	smul.u32 @!p0 $0xF7A, s2;
	p2 =	seq.s32 @!p0 s5, $0x0  }
0x1f: {  	s9 =	smul.u32 $0xF7A, s1;
	s8 =	simm.s32 @!p0 $0x1BF5;
	p2 =	por !p2, p0  }
0x20: {  	[sflag:s8] =	ssyncset.s32 @!p0 $0xFFFFF086;
	s6 =	sadd.s32 @!p0 s3, s7;
	s7 =	simm.s32 @!p0 $0x108  }
0x21: {  	s3 =	sadd.s32 s3, s9;
	s6 =	sadd.s32 @!p0 $0x88, s6;
	s7 =	simm.s32 @p2 $0x1082  }
0x22: {  	[simem:s7], [sflag:s8] =	dma.local @!p0 [hbm:s6], $0xF7A  }
0x23: {  	s9 =	sor.u32 $0xD0000000, s2;
	s6 =	simm.s32 $0x108;
	_ =	swait.ge @!p0 [sflag:s8], $0x0  }
0x24: {  	s3 =	sadd.s32 $0x88, s3;
	s6 =	simm.s32 @!p1 $0x1082;
	[sflag:s4] =	ssyncset.s32 $0xFFFFF086  }
0x25: {  	[simem:s6], [sflag:s4] =	dma.local [hbm:s3], $0xF7A  }
0x26: {  	[smem:$0x3F9D] =	sst s1;
	(tag) =	ssettag s2;
	_ =	strace s9  }
0x27: {  	s1 =	sld [smem:$0x3FAD]  }
0x28: {  	s2 =	sld [smem:$0x3FAE]  }
0x29: {  	s4 =	sld [smem:$0x3FB0]  }
0x2a: {  	p0 =	seq.s32 s5, $0x0;
	s5 =	sld [smem:$0x3FB1]  }
0x2b: {  	s6 =	sld [smem:$0x3FB2]  }
0x2c: {  	s7 =	sld [smem:$0x3FB3]  }
0x2d: {  	s3 =	simm.s32 $0x108;
	s8 =	sld [smem:$0x3FB4]  }
0x2e: {  	s3 =	simm.s32 @!p0 $0x1082;
	s9 =	sld [smem:$0x3FB5]  }
0x2f: {  	lr =	sadd.s32 s0, s3;
	s0 =	sld [smem:$0x3FAC]  }
0x30: {  	s3 =	sld [smem:$0x3FAF]  }
0x31: {  	[smem:$0x3FB8] =	sst s10  }
0x32: {  	s10 =	sld [smem:$0x3FB6];
	_ =	sdelay $0x3  }
0x33: {  	p0 =	seq.s32 s10, $0x1;
	s10 =	sld [smem:$0x3FB8];
	_ =	sdelay $0x3  }
0x34: {  	[smem:$0x3FB8] =	sst s10  }
0x35: {  	s10 =	sld [smem:$0x3FB7];
	_ =	sdelay $0x3  }
0x36: {  	p1 =	seq.s32 s10, $0x1;
	s10 =	sld [smem:$0x3FB8];
	_ =	sdelay $0x3  }
0x37: {  	[smem:$0x3FB8] =	sst s10  }
0x38: {  	s10 =	sld [smem:$0x3FB9]  }
0x39: {  	_ = 	snop;
	(pc) =	sbr.ind lr, $3  }
0x3a: {  	_ = 	snop  }
0x3b: {  	_ = 	snop  }
0x3c: {  	p2 =	seq.s32 s10, $0x1;
	s10 =	sld [smem:$0x3FB8]  }
0x3d: {  	_ =	shalt  }
0x3e: {  	_ =	shalt  }
0x3f: {  	_ =	shalt  }
0x40: {  	_ =	shalt  }
0x41: {  	_ =	shalt  }
0x42: {  	_ =	shalt  }
0x43: {  	_ =	shalt  }
0x44: {  	_ =	shalt  }
0x45: {  	_ =	shalt  }
0x46: {  	_ =	shalt  }
0x47: {  	_ =	shalt  }
0x48: {  	_ =	shalt  }
0x49: {  	_ =	shalt  }
0x4a: {  	_ =	shalt  }
0x4b: {  	_ =	shalt  }
0x4c: {  	_ =	shalt  }
0x4d: {  	_ =	shalt  }
0x4e: {  	_ =	shalt  }
0x4f: {  	_ =	shalt  }
0x50: {  	_ =	shalt  }
0x51: {  	_ =	shalt  }
0x52: {  	_ =	shalt  }
0x53: {  	_ =	shalt  }
0x54: {  	_ =	shalt  }
0x55: {  	_ =	shalt  }
0x56: {  	_ =	shalt  }
0x57: {  	_ =	shalt  }
0x58: {  	_ =	shalt  }
0x59: {  	_ =	shalt  }
0x5a: {  	_ =	shalt  }
0x5b: {  	_ =	shalt  }
0x5c: {  	_ =	shalt  }
0x5d: {  	_ =	shalt  }
0x5e: {  	_ =	shalt  }
0x5f: {  	_ =	shalt  }
0x60: {  	_ =	shalt  }
0x61: {  	_ =	shalt  }
0x62: {  	_ =	shalt  }
0x63: {  	_ =	shalt  }
0x64: {  	_ =	shalt  }
0x65: {  	_ =	shalt  }
0x66: {  	_ =	shalt  }
0x67: {  	_ =	shalt  }
0x68: {  	_ =	shalt  }
0x69: {  	_ =	shalt  }
0x6a: {  	_ =	shalt  }
0x6b: {  	_ =	shalt  }
0x6c: {  	_ =	shalt  }
0x6d: {  	_ =	shalt  }
0x6e: {  	_ =	shalt  }
0x6f: {  	_ =	shalt  }
0x70: {  	_ =	shalt  }
0x71: {  	_ =	shalt  }
0x72: {  	_ =	shalt  }
0x73: {  	_ =	shalt  }
0x74: {  	_ =	shalt  }
0x75: {  	_ =	shalt  }
0x76: {  	_ =	shalt  }
0x77: {  	_ =	shalt  }
0x78: {  	_ =	shalt  }
0x79: {  	_ =	shalt  }
0x7a: {  	_ =	shalt  }
0x7b: {  	_ =	shalt  }
0x7c: {  	_ =	shalt  }
0x7d: {  	_ =	shalt  }
0x7e: {  	_ =	shalt  }
0x7f: {  	_ =	shalt  }
0x80: {  	_ =	shalt  }
0x81: {  	_ =	shalt  }
0x82: {  	_ =	shalt  }
0x83: {  	_ =	shalt  }
0x84: {  	_ =	shalt  }
0x85: {  	_ =	shalt  }
0x86: {  	_ =	shalt  }
0x87: {  	_ =	shalt  }
.Lfunc_end0:
.L_simem_size_0:
called_computation_lowered:
.L_overlay_start_0:
0x88: {  	s2 =	sld [smem:$0x3FD9]  }
0x89: {  	s3 =	sld [smem:$0x3FFE];
	_ =	sdelay $0x1  }
0x8a: {  	s1 =	srdreg.scid  }
0x8b: {  	s0 =	sand.u32 $0x1, s1  }
0x8c: {  	s14 =	sshll.u32 s0, $0xA;
	s2 =	sadd.s32 s3, s2  }
0x8d: {  	s2 =	sadd.s32 s2, s14  }
0x8e: {  	[smem:$0x3FC4] =	sst s2  }
0x8f: {  	_ = 	snop  }
0x90: {  	s2 =	sld [smem:$0x3FD0];
	_ =	sdelay $0x2  }
0x91: {  	s4 =	simm.s32 $0xA;
	s5 =	simm.s32 $0x10;
	s15 =	sld [smem:$0x3FC8]  }
0x92: {  	[smem:s5], [sflag:s4] =	dma.local [hbm:s2], $0x1  }
0x93: {  	_ =	swait.eq [sflag:s4], $0x1  }
0x94: {  	[sflag:s4] =	ssyncset.done $0x0  }
0x95: {  	s16 =	sld [smem:$0x10];
	[sflag:s4] =	ssyncadd.s32 $0xFFFFFFFF  }
0x96: {  	s17 =	sld [smem:$0x11];
	(tm) =	ssettm $0x1  }
0x97: {  	s18 =	sld [smem:$0x3FFB];
	_ =	sdelay $0x3  }
0x98: {  	_ =	strace s18  }
0x99: {  	s5 =	sld [smem:$0x3FFC];
	_ =	sdelay $0x3  }
0x9a: {  	_ =	strace s5  }
0x9b: {  	s5 =	sld [smem:$0x3FFD];
	_ =	sdelay $0x3  }
0x9c: {  	_ =	strace s5  }
0x9d: {  	_ =	strace $0x8FFFFFFF  }
0x9e: {  	s19 =	sld [smem:$0x3FDB];
	_ =	sdelay $0x1  }
0x9f: {  	s6 =	simm.s32 $_scs_section_size  }
0xa0: {  	s7 =	simm.s32 $_size__tile_overlayer_lowered;
	s8 =	simm.s32 $_tile_overlayer_lowered  }
0xa1: {  	s22 =	simm.s32 $0x1BFF;
	s21 =	sshll.u32 s8, $0x1;
	s5 =	sadd.s32 s6, s19  }
0xa2: {  	s9 =	simm.s32 $0x0;
	s20 =	sshll.u32 s7, $0x1;
	s7 =	sadd.s32 s21, s5  }
0xa3: {  	[timem:s9], [sflag:s22] =	dma.local [hbm:s7], s20  }
0xa4: {  	_ =	swait.ge [sflag:s22], s20  }
0xa5: {  	s6 =	ssub.s32 $0x0, s20;
	[sflag:s22] =	ssyncset.done $0x0  }
0xa6: {  	[sflag:s22] =	ssyncadd.s32 s6;
	_ =	sdelay $0x1  }
0xa7: {  	s23 =	simm.s32 $0x1B8B  }
0xa8: {  	_ =	swait.ge [sflag:s23], $0x1  }
0xa9: {  	[sflag:s23] =	ssyncset.done $0x0  }
0xaa: {  	s25 =	simm.s32 $0x1B8E;
	s24 =	sld [smem:$0x3FFE];
	[sflag:s23] =	ssyncadd.s32 $0xFFFFFFFF  }
0xab: {  	s26 =	simm.s32 $execute0_lowered;
	[smem:$0x3FD2] =	sst s25  }
0xac: {  	s7 =	sshll.u32 s26, $0x1;
	_ =	strace $0x80000046;
	[dreg:$0x1] =	wrdreg $0xFFFFFFFF  }
0xad: {  	s28 =	simm.s32 $_size_execute0_lowered;
	s5 =	sadd.s32 s5, s7;
	[dreg:$0x0] =	wrdreg $0x0  }
0xae: {  	s7 =	sshll.u32 s28, $0x1;
	[dreg:$0x2] =	wrdreg s5  }
0xaf: {  	[dreg:$0x3] =	wrdreg s7  }
0xb0: {  	[dreg:$0x4] =	wrdreg $0xC0  }
0xb1: {  	_ =	task [dreg:s9], $0x5FFFF  }
0xb2: {  	[dreg:$0x1] =	wrdreg $0xFFFFFFFF  }
0xb3: {  	[dreg:$0x0] =	wrdreg $0x60  }
0xb4: {  	[dreg:$0x2] =	wrdreg s15  }
0xb5: {  	[dreg:$0x3] =	wrdreg s16  }
0xb6: {  	[dreg:$0x4] =	wrdreg s17  }
0xb7: {  	[dreg:$0x5] =	wrdreg s24  }
0xb8: {  	[dreg:$0x6] =	wrdreg $0x28800  }
0xb9: {  	[dreg:$0x7] =	wrdreg $0x9  }
0xba: {  	_ =	task.clear_ibuf [dreg:s9], $0x8FFFF;
	_ =	strace $0x90000046  }
0xbb: {  	s29 =	simm.s32 $0x9;
	_ =	strace $0x80000048  }
0xbc: {  	_ =	swait.ge [sflag:s29], $0x1  }
0xbd: {  	[sflag:s29] =	ssyncadd.s32 $0xFFFFFFFF  }
0xbe: {  	_ =	strace $0x90000048  }
0xbf: {  	_ =	sfence  }
0xc0: {  	s30 =	sld [smem:$0x0];
	_ =	sdelay $0x2  }
0xc1: {  	s31 =	sshll.u32 s1, $0xD;
	s1 =	sshrl.u32 s1, $0x2  }
0xc2: {  	s3 =	sand.u32 $0x4000, s31;
	s1 =	sadd.s32 s1, s30  }
0xc3: {  	s0 =	sor.u32 s3, s0;
	s1 =	sshll.u32 s1, $0x11  }
0xc4: {  	s0 =	sor.u32 s1, s0  }
0xc5: {  	s0 =	sadd.s32 $0x8F2B, s0  }
0xc6: {  	[sflag:s0] =	ssyncadd.remote.s32 $0x1  }
0xc7: {  	_ =	sfence.sel $0xFFFF  }
0xc8: {  	[dreg:$0x0] =	wrdreg $0xFFFFFFFF;
	(pc) =	sbr.abs _section_cstart, $3  }
0xc9: {  	[dreg:$0x1] =	wrdreg $0xFFFFFFFF  }
0xca: {  	_ =	task.clear_ibuf [dreg:s9], $0x2FFFF;
	_ =	strace $0x9FFFFFFF  }
0xcb: {  	(tm) =	ssettm $0x7FFFFFFF  }
tec
execute0_lowered:
.L_overlay_start_1:
0x0: {  	(tag) =	ssettag $0x1  }
0x1: {  	s6 =	rddreg [dreg:$0x0]  }
0x2: {  	s0 =	rddreg [dreg:$0x1]  }
0x3: {  	s9 =	rddreg [dreg:$0x2]  }
0x4: {  	s5 =	rddreg [dreg:$0x3]  }
0x5: {  	s1 =	srdreg.scid;
	s3 =	rddreg [dreg:$0x4]  }
0x6: {  	s2 =	stileid.u32;
	s4 =	simm.s32 $0x0;
	s16 =	simm.s32 $0x2800  }
0x7: {  	s17 =	simm.s32 $0x0;
	s8 =	sand.u32 $0x1, s1;
	s1 =	rddreg [dreg:$0x5]  }
0x8: {  	[smem:$0x7FF] =	sst s4;
	s14 =	sadd.s32 $0x2600, s5;
	s5 =	simm.s32 $0x4F  }
0x9: {  	s30 =	smul.u32 $0x280, s2;
	s31 =	sshll.u32 s2, $0x6;
	s7 =	sshll.u32 s8, $0x4  }
0xa: {  	s28 =	ssub.s32 $0x2, s8;
	_ =	strace $0x80000047;
	s10 =	sor.u32 s2, s7  }
0xb: {  	s12 =	sshrl.u32 s28, $0x1;
	s15 =	sadd.s32 s30, s3;
	s11 =	smul.u32 $0x4E, s10  }
0xc: {  	s13 =	smin.u32 s10, $0x4;
	s12 =	ssub.s32 s28, s12;
	p0 =	slt.u32 s10, $0x4  }
0xd: {  	s5 =	simm.s32 @!p0 $0x4E;
	p0 =	seq.s32 s8, $0x1;
	s8 =	smax.u32 s12, $0x1  }
0xe: {  	s12 =	simm.s32 $0x1;
	s29 =	sadd.s32 s13, s11;
	s11 =	sshrl.u32 s30, $0x3  }
0xf: {  	s9 =	smov.u32 @p0 s14;
	p0 =	sgt.u32 s10, $0x3;
	s10 =	simm.s32 $0x80  }
0x10: {  	s13 =	sor.u32 $0x1C01, s31;
	s14 =	sshrl.u32 s15, $0x3;
	s7 =	sshll.u32 s29, $0x5  }
0x11: {  	s15 =	simm.s32 $0x2780;
	s9 =	sadd.s32 s9, s11;
	s7 =	sadd.s32 s7, s6  }
0x12: {  	v0 =	vimm.f32 $1.000000000e+00;
	s11 =	simm.s32 $0x100;
	s6 =	sadd.s32 $0x10, s7;
	s7 =	sadd.s32 $0x9D0, s7  }
.LBB2_1:
0x13: {  	[tilespmem:$0x2800] =	vst v0  }
0x14: {  	[tilespmem:$0x2810] =	vst v0  }
0x15: {  	[tilespmem:$0x2820] =	vst v0  }
0x16: {  	[tilespmem:$0x2830] =	vst v0  }
0x17: {  	[tilespmem:$0x2840] =	vst v0  }
0x18: {  	[tilespmem:$0x2850] =	vst v0  }
0x19: {  	[tilespmem:$0x2860] =	vst v0  }
0x1a: {  	[tilespmem:$0x2870] =	vst v0  }
0x1b: {  	[tilespmem:s4], [sflag:$0x1] =	stream.strided.gather [hbm4b:s6+s10], $0x2700, s11, s10, $0x38;
	[tilespmem:$0x2B00] =	vst v63  }
0x1c: {  	_ =	swait.ge [sflag:s12], $0x2700  }
0x1d: {  	[sflag:s12] =	ssyncset.done $0x0  }
0x1e: {  	s18 =	simm.s32 @!p0 $0x0;
	s19 =	simm.s32 @!p0 $0x2700;
	[sflag:s12] =	ssyncadd.s32 $0xFFFFD900  }
0x1f: {  	[tilespmem:s19], [sflag:$0x1] =	stream.linear.gather @!p0 [hbm4b:s7+s18], $0x80, $0x38;
	[tilespmem:$0x2B00] =	vst v63  }
0x20: {  	s18 =	simm.s32 @!p0 $0x1  }
0x21: {  	_ =	swait.ge @!p0 [sflag:s18], $0x80  }
0x22: {  	[sflag:s18] =	ssyncset.done @!p0 $0x0  }
0x23: {  	[sflag:s18] =	ssyncadd.s32 @!p0 $0xFFFFFF80  }
0x24: {  	[spmem:s14], [sflag:s13] =	dma.local [hbm:s0], $0x50  }
0x25: {  	_ =	swait.ge [sflag:s12], $0x50  }
0x26: {  	[sflag:s12] =	ssyncset.done $0x0  }
0x27: {  	[sflag:s12] =	ssyncadd.s32 $0xFFFFFFB0  }
0x28: {  	s18 =	simm.s32 $0x40;
	[bflag:$0x0] =	sbarrier.arrive $0xFFFF  }
0x29: {  	v1 =	vld [tilespmem:s18+$0xFFFFFFC0];
	_ =	sdelay $0x4  }
0x2a: {  	[tilespmem:$0x2780] =	vst v1  }
0x2b: {  	v1 =	vld [tilespmem:s18+$0xFFFFFFD0];
	_ =	sdelay $0x4  }
0x2c: {  	[tilespmem:$0x2790] =	vst v1  }
0x2d: {  	v1 =	vld [tilespmem:s18+$0xFFFFFFE0];
	_ =	sdelay $0x4  }
0x2e: {  	[tilespmem:$0x27A0] =	vst v1  }
0x2f: {  	v1 =	vld [tilespmem:s18+$0xFFFFFFF0];
	_ =	sdelay $0x4  }
0x30: {  	[tilespmem:$0x27B0] =	vst v1  }
0x31: {  	v1 =	vld [tilespmem:s18+$0x0];
	_ =	sdelay $0x4  }
0x32: {  	[tilespmem:$0x27C0] =	vst v1  }
0x33: {  	v1 =	vld [tilespmem:s18+$0x10];
	_ =	sdelay $0x4  }
0x34: {  	[tilespmem:$0x27D0] =	vst v1  }
0x35: {  	v1 =	vld [tilespmem:s18+$0x20];
	_ =	sdelay $0x4  }
0x36: {  	[tilespmem:$0x27E0] =	vst v1  }
0x37: {  	v1 =	vld [tilespmem:s18+$0x30];
	_ =	sdelay $0x2  }
0x38: {  	p1 =	sne.s32 s5, $0x1  }
.Ltmp0:
0x39: {  	_ = 	snop;
	(pc) =	sbr.rel @!p1 .LBB2_3-.Ltmp0, $4  }
0x3a: {  	[tilespmem:$0x27F0] =	vst v1  }
0x3b: {  	[spmem:s3] =	stream.indirect.scatter.add.f32 [tilespmem:s16], [sflag:$0x1], $0x1, s15, s10, $0xb8;
	[tilespmem:$0x2B00] =	vst v63  }
0x3c: {  	_ =	swait.ge [sflag:s12], $0x80  }
0x3d: {  	s19 =	sadd.s32 $0xFFFFFFFF, s5;
	[sflag:s12] =	ssyncset.done $0x0  }
.LBB2_2:
0x3e: {  	p1 =	sne.s32 s19, $0x1;
	[sflag:s12] =	ssyncadd.s32 $0xFFFFFF80;
	s18 =	sadd.s32 $0x80, s18  }
0x3f: {  	s19 =	sadd.s32 $0xFFFFFFFF, s19;
	v1 =	vld [tilespmem:s18+$0xFFFFFFC0];
	_ =	sdelay $0x4  }
0x40: {  	[tilespmem:$0x2780] =	vst v1  }
0x41: {  	v1 =	vld [tilespmem:s18+$0xFFFFFFD0];
	_ =	sdelay $0x4  }
0x42: {  	[tilespmem:$0x2790] =	vst v1  }
0x43: {  	v1 =	vld [tilespmem:s18+$0xFFFFFFE0];
	_ =	sdelay $0x4  }
0x44: {  	[tilespmem:$0x27A0] =	vst v1  }
0x45: {  	v1 =	vld [tilespmem:s18+$0xFFFFFFF0];
	_ =	sdelay $0x4  }
0x46: {  	[tilespmem:$0x27B0] =	vst v1  }
0x47: {  	v1 =	vld [tilespmem:s18+$0x0];
	_ =	sdelay $0x4  }
0x48: {  	[tilespmem:$0x27C0] =	vst v1  }
0x49: {  	v1 =	vld [tilespmem:s18+$0x10];
	_ =	sdelay $0x4  }
0x4a: {  	[tilespmem:$0x27D0] =	vst v1  }
0x4b: {  	v1 =	vld [tilespmem:s18+$0x20];
	_ =	sdelay $0x4  }
0x4c: {  	[tilespmem:$0x27E0] =	vst v1  }
0x4d: {  	v1 =	vld [tilespmem:s18+$0x30];
	_ =	sdelay $0x3  }
.Ltmp1:
0x4e: {  	(pc) =	sbr.rel @p1 .LBB2_2-.Ltmp1, $4  }
0x4f: {  	[tilespmem:$0x27F0] =	vst v1  }
0x50: {  	[spmem:s3] =	stream.indirect.scatter.add.f32 [tilespmem:s16], [sflag:$0x1], $0x1, s15, s10, $0xb8;
	[tilespmem:$0x2B00] =	vst v63  }
0x51: {  	_ =	swait.ge [sflag:s12], $0x80  }
0x52: {  	[sflag:s12] =	ssyncset.done $0x0  }
.LBB2_3:
0x53: {  	s17 =	sadd.s32 $0x1, s17  }
0x54: {  	[sflag:s12] =	ssyncadd.s32 $0xFFFFFF80;
	p1 =	sne.s32 s17, s8  }
.Ltmp2:
0x55: {  	[bflag:$0x0] =	sbarrier.arrive $0xFFFF;
	(pc) =	sbr.rel @p1 .LBB2_1-.Ltmp2, $4  }
0x56: {  	[hbm:s9], [sflag:s13] =	dma.local [spmem:s14], $0x50  }
0x57: {  	_ =	swait.ge [sflag:s12], $0x50  }
0x58: {  	[sflag:s12] =	ssyncset.done $0x0  }
0x59: {  	[sflag:s12] =	ssyncadd.s32 $0xFFFFFFB0  }
0x5a: {  	_ =	sfence.sel $0x180000  }
0x5b: {  	[bflag:$0x0] =	sbarrier.arrive $0xFFFF  }
0x5c: {  	p0 =	sne.s32 s2, $0x0;
	_ =	strace $0x90000047  }
0x5d: {  	s0 =	sadd.s32 @!p0 $0x100000, s1;
	[bflag:$0x2] =	sbarrier.arrive $0xFFFF  }
0x5e: {  	[sflag:s0] =	ssyncadd.tile.s32 @!p0 $0x1;
	_ =	shalt  }
.Lfunc_end2:
_tile_overlayer_lowered:
.L_overlay_start_2:
0x5f: {  	(tag) =	ssettag $0x2  }
0x60: {  	s0 =	rddreg [dreg:$0x0];
	s2 =	stileid.u32  }
0x61: {  	s1 =	rddreg [dreg:$0x1];
	p0 =	sne.s32 s2, $0x0  }
0x62: {  	s3 =	rddreg [dreg:$0x2];
	[bflag:$0x3] =	sbarrier.arrive $0xFFFF;
	s2 =	simm.s32 @!p0 $0x1C01  }
0x63: {  	[timem:s3], [sflag:s2] =	dma.local @!p0 [hbm:s0], s1  }
0x64: {  	s0 =	simm.s32 @!p0 $0x1  }
0x65: {  	_ =	swait.ge @!p0 [sflag:s0], s1  }
0x66: {  	s1 =	ssub.s32 @!p0 $0x0, s1;
	[sflag:s0] =	ssyncset.done @!p0 $0x0  }
0x67: {  	[sflag:s0] =	ssyncadd.s32 @!p0 s1  }
0x68: {  	[bflag:$0x3] =	sbarrier.arrive $0xFFFF  }
0x69: {  	_ =	shalt  }

</sc_bundles>
